<compile_context>
chip_gen: v7x
topology: tpu7x:2x2x1
jax: 0.10.2.dev20260603
libtpu: 0.0.44.dev20260713+nightly
codegen_flags: <defaults>
</compile_context>

<pallas_src>
import functools

import jax
import jax.numpy as jnp
from jax import lax
from jax.experimental import pallas as pl
from jax.experimental.pallas import tpu as pltpu
from jax.experimental.pallas import tpu_sc as plsc

_N = 10000
_NP = 10112
_B = 128
_DIN = 128
_H1 = 100
_DG = 20
_D3 = 200
_MLP1 = 128
_MLP2 = 32
_D1 = 112
_D2 = 32
_NC = 2
_NS = 16
_NW = _NC * _NS
_EP = 327680
_RPT = _NP // _NS


def _mm_body(a_ref, w_ref, c_ref, o_ref):
    rows = lax.broadcasted_iota(jnp.int32, (a_ref.shape[0], 1), 0)
    mask = (rows < _N).astype(jnp.float32)
    o_ref[...] = (
        jnp.dot(a_ref[...], w_ref[...], preferred_element_type=jnp.float32)
        + mask * c_ref[...]
    )


def _tc_matmul(a, w, c, dout):
    return pl.pallas_call(
        _mm_body,
        out_shape=jax.ShapeDtypeStruct((a.shape[0], dout), jnp.float32),
    )(a, w, c)


def _layer2_body(sa_ref, sb_ref, w_ref, b1_ref, c_ref, o_ref):
    s = sa_ref[...] + sb_ref[...]
    cnt = s[:, _H1:_H1 + 1]
    h = jnp.maximum(s[:, :_H1] / jnp.maximum(cnt, 1.0) + b1_ref[...], 0.0)
    rows = lax.broadcasted_iota(jnp.int32, (s.shape[0], 1), 0)
    mask = (rows < _N).astype(jnp.float32)
    o_ref[...] = mask * (
        jnp.dot(h, w_ref[...], preferred_element_type=jnp.float32) + c_ref[...]
    )


def _make_segsum(d, kc, nh):
    mesh = plsc.VectorSubcoreMesh(core_axis_name="c", subcore_axis_name="s")

    @functools.partial(
        pl.kernel,
        mesh=mesh,
        compiler_params=pltpu.CompilerParams(use_tc_tiling_on_sc=False),
        out_type=[jax.ShapeDtypeStruct((_NP, d), jnp.float32),
                  jax.ShapeDtypeStruct((_NP, d), jnp.float32)],
        scratch_types=[
            pltpu.VMEM((nh, kc), jnp.int32),
            pltpu.VMEM((nh, kc), jnp.int32),
            pltpu.VMEM((kc, d), jnp.float32),
            pltpu.VMEM((kc, d), jnp.float32),
            pltpu.VMEM_SHARED((_NP, d), jnp.float32),
            pltpu.SemaphoreType.DMA,
            pltpu.SemaphoreType.DMA,
            pltpu.SemaphoreType.DMA,
            pltpu.SemaphoreType.DMA,
        ],
    )
    def seg(feat, srcs, dsts, zeros, out0, out1, src_v, dst_v, r0_v, r1_v,
            acc, sem0, sem1, sem2, sem3):
        cid = lax.axis_index("c")
        sid = lax.axis_index("s")
        wid = cid * _NS + sid
        row0 = sid * _RPT
        pltpu.sync_copy(zeros.at[pl.ds(row0, _RPT)],
                        acc.at[pl.ds(row0, _RPT)])
        pltpu.sync_copy(srcs.at[wid], src_v)
        pltpu.sync_copy(dsts.at[wid], dst_v)
        plsc.subcore_barrier()

        pltpu.async_copy(feat.at[src_v.at[0]], r0_v, sem0)
        pltpu.async_copy(feat.at[src_v.at[1]], r1_v, sem1)

        def body(i, carry):
            j0 = 2 * i
            j1 = 2 * i + 1
            pltpu.make_async_copy(feat.at[src_v.at[j0]], r0_v, sem0).wait()
            pltpu.async_copy(r0_v, acc.at[dst_v.at[j0]], sem2, add=True)
            pltpu.make_async_copy(feat.at[src_v.at[j1]], r1_v, sem1).wait()
            pltpu.async_copy(r1_v, acc.at[dst_v.at[j1]], sem3, add=True)
            ja = jnp.minimum(j0 + 2, nh - 1)
            jb = jnp.minimum(j1 + 2, nh - 1)
            pltpu.make_async_copy(
                r0_v, acc.at[dst_v.at[j0]], sem2).wait()
            pltpu.async_copy(feat.at[src_v.at[ja]], r0_v, sem0)
            pltpu.make_async_copy(
                r1_v, acc.at[dst_v.at[j1]], sem3).wait()
            pltpu.async_copy(feat.at[src_v.at[jb]], r1_v, sem1)
            return carry

        lax.fori_loop(0, nh // 2, body, 0)
        pltpu.make_async_copy(feat.at[src_v.at[0]], r0_v, sem0).wait()
        pltpu.make_async_copy(feat.at[src_v.at[1]], r1_v, sem1).wait()
        plsc.subcore_barrier()

        @pl.when(cid == 0)
        def _():
            pltpu.sync_copy(acc.at[pl.ds(row0, _RPT)],
                            out0.at[pl.ds(row0, _RPT)])

        @pl.when(cid == 1)
        def _():
            pltpu.sync_copy(acc.at[pl.ds(row0, _RPT)],
                            out1.at[pl.ds(row0, _RPT)])

    return seg


@functools.lru_cache(maxsize=None)
def _segsum(d, kc, nh):
    return _make_segsum(d, kc, nh)


def _bn(z, g, b):
    mu = jnp.mean(z, axis=0, keepdims=True)
    var = jnp.mean((z - mu) ** 2, axis=0, keepdims=True)
    return (z - mu) * lax.rsqrt(var + 1e-5) * g + b


def _tail_body(sa_ref, sb_ref, gid_ref, d3_ref, b2_ref, wg1_ref, wg2_ref,
               bg_ref, wf1a_ref, wf1b_ref, bf1_ref, wf2_ref, bf2_ref,
               wf3_ref, bf3_ref, g1_ref, bt1_ref, g2_ref, bt2_ref, o_ref):
    s = sa_ref[...] + sb_ref[...]
    cnt = s[:, _DG:_DG + 1]
    h2 = jnp.maximum(s[:, :_DG] / jnp.maximum(cnt, 1.0) + b2_ref[...], 0.0)
    gid = gid_ref[...]
    iot = lax.broadcasted_iota(jnp.int32, (_B, _NP), 0)
    m = (iot == gid).astype(jnp.float32)
    hsum = jnp.dot(m, h2, preferred_element_type=jnp.float32)
    cg = jnp.sum(m, axis=1, keepdims=True)
    hg = hsum / jnp.maximum(cg, 1.0)
    d3 = d3_ref[...]
    glin = (
        jnp.dot(hg, wg1_ref[...], preferred_element_type=jnp.float32)
        + jnp.dot(d3, wg2_ref[...], preferred_element_type=jnp.float32)
        + bg_ref[...]
    )
    g3 = 1.0 / (1.0 + jnp.exp(-glin))
    v3 = g3 * d3
    z1 = (
        jnp.dot(v3, wf1a_ref[_DG], preferred_element_type=jnp.float32)
        + wf1b_ref[_DG:_DG + 1, :]
        + bf1_ref[...]
    )
    for i in range(_DG):
        z1 += hg[:, i:i + 1] * (
            jnp.dot(v3, wf1a_ref[i], preferred_element_type=jnp.float32)
            + wf1b_ref[i:i + 1, :]
        )
    z1 = jnp.maximum(_bn(z1, g1_ref[...], bt1_ref[...]), 0.0)
    z2 = jnp.maximum(
        _bn(jnp.dot(z1, wf2_ref[...], preferred_element_type=jnp.float32)
            + bf2_ref[...], g2_ref[...], bt2_ref[...]),
        0.0,
    )
    o_ref[...] = (
        jnp.dot(z2, wf3_ref[...], preferred_element_type=jnp.float32)
        + bf3_ref[...]
    )


def kernel(x, edge_index, node_graph_ids, desc_2d, desc_3d,
           W1, b1, W2, b2, Wg, bg, Wf1, bf1, Wf2, bf2, Wf3, bf3,
           gamma1, beta1, gamma2, beta2):
    del desc_2d
    f32 = jnp.float32

    src = edge_index[0].astype(jnp.int32)
    dst = edge_index[1].astype(jnp.int32)
    e = src.shape[0]
    fill_src = jnp.full((_EP - e,), _N, jnp.int32)
    fill_dst = jnp.arange(_EP - e, dtype=jnp.int32) % _NP
    src_p = jnp.concatenate([src, fill_src])
    dst_p = jnp.concatenate([dst, fill_dst])
    srcs = src_p.reshape(_NW, 80, 128)
    dsts = dst_p.reshape(_NW, 80, 128)
    x_pad = jnp.zeros((_NP, _DIN), f32).at[:_N].set(x)
    gid = jnp.full((1, _NP), _B + 7, jnp.int32).at[0, :_N].set(
        node_graph_ids.astype(jnp.int32))
    zeros1 = jnp.zeros((_NP, _D1), f32)
    zeros2 = jnp.zeros((_NP, _D2), f32)

    w1p = jnp.zeros((_DIN, _D1), f32).at[:, :_H1].set(W1.T)
    e1 = jnp.zeros((1, _D1), f32).at[0, _H1].set(1.0)
    w2p = jnp.zeros((_H1, _D2), f32).at[:, :_DG].set(W2.T)
    e2 = jnp.zeros((1, _D2), f32).at[0, _DG].set(1.0)
    b1r = b1.reshape(1, _H1)
    b2r = b2.reshape(1, _DG)
    wg1 = Wg[:, :_DG].T
    wg2 = Wg[:, _DG:].T
    bgr = bg.reshape(1, _D3)
    wf1r = Wf1.reshape(_MLP1, _DG + 1, _D3 + 1)
    wf1a = jnp.transpose(wf1r[:, :, :_D3], (1, 2, 0))
    wf1b = wf1r[:, :, _D3].T
    bf1r = bf1.reshape(1, _MLP1)
    wf2t = Wf2.T
    bf2r = bf2.reshape(1, _MLP2)
    wf3t = Wf3.T
    bf3r = bf3.reshape(1, 1)
    g1r = gamma1.reshape(1, _MLP1)
    bt1r = beta1.reshape(1, _MLP1)
    g2r = gamma2.reshape(1, _MLP2)
    bt2r = beta2.reshape(1, _MLP2)

    xw = _tc_matmul(x_pad, w1p, e1, _D1)
    s1a, s1b = _segsum(_D1, 128, 80)(xw, srcs, dsts, zeros1)
    hw = pl.pallas_call(
        _layer2_body,
        out_shape=jax.ShapeDtypeStruct((_NP, _D2), f32),
    )(s1a, s1b, w2p, b1r, e2)
    s2a, s2b = _segsum(_D2, 128, 80)(hw, srcs, dsts, zeros2)
    out = pl.pallas_call(
        _tail_body,
        out_shape=jax.ShapeDtypeStruct((_B, 1), f32),
    )(s2a, s2b, gid, desc_3d, b2r, wg1, wg2, bgr, wf1a, wf1b, bf1r,
      wf2t, bf2r, wf3t, bf3r, g1r, bt1r, g2r, bt2r)
    return out

# --- scband reference (transcript-rebuilt; emitter-appended) ---
"""Pipeline reference for scband-net-contextual-gate2-84954453115094 (READ-ONLY COPY).

The authoritative reference and input builder live on the scoring server;
editing this copy changes nothing except your own understanding.
"""

import jax, jax.numpy as jnp
import numpy as np

N = 10000
E = 320000
B = 128
DIN = 128
D3 = 200
DG = 20
H1 = 100
MLP1 = 128
MLP2 = 32
FUSE = (DG + 1) * (D3 + 1)


def setup_inputs(seed: int = 0) -> dict:
    key = jax.random.key(seed)
    ks = jax.random.split(key, 24)
    inp = {}
    inp['x'] = jax.random.normal(ks[0], (N, DIN), dtype=jnp.float32)
    inp['edge_index'] = jax.random.randint(ks[1], (2, E), 0, N, dtype=jnp.int64)
    inp['node_graph_ids'] = jnp.sort(jax.random.randint(ks[2], (N,), 0, B, dtype=jnp.int64))
    inp['desc_2d'] = jax.random.normal(ks[3], (B, 200), dtype=jnp.float32)
    inp['desc_3d'] = jax.random.normal(ks[4], (B, D3), dtype=jnp.float32)
    # learned params (PyTorch Linear convention: W[out, in])
    inp['W1'] = jax.random.normal(ks[5], (H1, DIN), dtype=jnp.float32) * 0.05
    inp['b1'] = jnp.zeros((H1,), dtype=jnp.float32)
    inp['W2'] = jax.random.normal(ks[6], (DG, H1), dtype=jnp.float32) * 0.05
    inp['b2'] = jnp.zeros((DG,), dtype=jnp.float32)
    inp['Wg'] = jax.random.normal(ks[7], (D3, DG + D3), dtype=jnp.float32) * 0.05
    inp['bg'] = jnp.zeros((D3,), dtype=jnp.float32)
    inp['Wf1'] = jax.random.normal(ks[8], (MLP1, FUSE), dtype=jnp.float32) * 0.02
    inp['bf1'] = jnp.zeros((MLP1,), dtype=jnp.float32)
    inp['Wf2'] = jax.random.normal(ks[9], (MLP2, MLP1), dtype=jnp.float32) * 0.05
    inp['bf2'] = jnp.zeros((MLP2,), dtype=jnp.float32)
    inp['Wf3'] = jax.random.normal(ks[10], (1, MLP2), dtype=jnp.float32) * 0.05
    inp['bf3'] = jnp.zeros((1,), dtype=jnp.float32)
    inp['gamma1'] = jnp.ones((MLP1,), dtype=jnp.float32)
    inp['beta1'] = jnp.zeros((MLP1,), dtype=jnp.float32)
    inp['gamma2'] = jnp.ones((MLP2,), dtype=jnp.float32)
    inp['beta2'] = jnp.zeros((MLP2,), dtype=jnp.float32)
    return inp


def _gcn(h, src, dst, W, b):
    msg = h[src]  # gather over edges
    s = jax.ops.segment_sum(msg, dst, num_segments=N)
    cnt = jax.ops.segment_sum(jnp.ones((E,), dtype=h.dtype), dst, num_segments=N)
    accum = s / jnp.maximum(cnt, 1.0)[:, None]  # mean over mailbox
    return accum @ W.T + b


def _bn(z, gamma, beta, eps=1e-5):
    mu = jnp.mean(z, axis=0)
    var = jnp.mean((z - mu) ** 2, axis=0)  # biased, as PyTorch training-mode BN
    return (z - mu) / jnp.sqrt(var + eps) * gamma + beta


def reference(x, edge_index, node_graph_ids, desc_2d, desc_3d,
              W1, b1, W2, b2, Wg, bg, Wf1, bf1, Wf2, bf2, Wf3, bf3,
              gamma1, beta1, gamma2, beta2):
    src = edge_index[0]
    dst = edge_index[1]
    h = jax.nn.relu(_gcn(x, src, dst, W1, b1))
    h = jax.nn.relu(_gcn(h, src, dst, W2, b2))
    # dgl.mean_nodes: per-graph mean readout
    sg = jax.ops.segment_sum(h, node_graph_ids, num_segments=B)
    cg = jax.ops.segment_sum(jnp.ones((N,), dtype=h.dtype), node_graph_ids, num_segments=B)
    hg = sg / jnp.maximum(cg, 1.0)[:, None]
    gate_in_3d = jnp.concatenate([hg, desc_3d], axis=1)
    g3 = jax.nn.sigmoid(gate_in_3d @ Wg.T + bg)
    v3 = g3 * desc_3d
    ones_b = jnp.ones((B, 1), dtype=hg.dtype)
    hg_aug = jnp.concatenate([hg, ones_b], axis=1)
    v3_aug = jnp.concatenate([v3, ones_b], axis=1)
    fusion = (hg_aug[:, :, None] * v3_aug[:, None, :]).reshape(B, -1)
    out = jax.nn.relu(_bn(fusion @ Wf1.T + bf1, gamma1, beta1))
    # dropout is identity in eval/deterministic mode
    out = jax.nn.relu(_bn(out @ Wf2.T + bf2, gamma2, beta2))
    out = out @ Wf3.T + bf3
    return out

if __name__ == "__main__":
    import jax
    _d = setup_inputs()
    print(jax.jit(kernel)(*tuple(_d.values())))

</pallas_src>

<mosaic_0001>
#map = affine_map<(d0, d1) -> (0, 0)>
#map1 = affine_map<(d0, d1) -> (0, 0, 0)>
module attributes {stable_mosaic.version = 14 : i64} {
  func.func @seg(%arg0: i32, %arg1: i32, %arg2: memref<10112x32xf32, #tpu.memory_space<hbm>>, %arg3: memref<32x80x128xi32, #tpu.memory_space<hbm>>, %arg4: memref<32x80x128xi32, #tpu.memory_space<hbm>>, %arg5: memref<10112x32xf32, #tpu.memory_space<hbm>>, %arg6: memref<10112x32xf32, #tpu.memory_space<hbm>>, %arg7: memref<10112x32xf32, #tpu.memory_space<hbm>>, %arg8: memref<80x128xi32, #tpu.memory_space<vmem>>, %arg9: memref<80x128xi32, #tpu.memory_space<vmem>>, %arg10: memref<128x32xf32, #tpu.memory_space<vmem>>, %arg11: memref<128x32xf32, #tpu.memory_space<vmem>>, %arg12: memref<10112x32xf32, #tpu.memory_space<vmem_shared>>, %arg13: memref<!tpu.dma_semaphore, #tpu.memory_space<semaphore_mem>>, %arg14: memref<!tpu.dma_semaphore, #tpu.memory_space<semaphore_mem>>, %arg15: memref<!tpu.dma_semaphore, #tpu.memory_space<semaphore_mem>>, %arg16: memref<!tpu.dma_semaphore, #tpu.memory_space<semaphore_mem>>) attributes {dimension_semantics = [#tpu.dimension_semantics<core_parallel>, #tpu.dimension_semantics<subcore_parallel>], iteration_bounds = array<i64: 2, 16>, scalar_prefetch = 0 : i64, scratch_operands = 9 : i64, tpu.core_type = #tpu.core_type<sc_vector_subcore>, window_params = [{transform_indices = #map}, {transform_indices = #map1}, {transform_indices = #map1}, {transform_indices = #map}, {transform_indices = #map}, {transform_indices = #map}]} {
    %mul3A = arith.constant 16 : i32
    %mul3A_0 = arith.muli %arg0, %mul3A : i32
    %add3A = arith.addi %mul3A_0, %arg1 : i32
    %mul3A_1 = arith.constant 632 : i32
    %mul3A_2 = arith.muli %arg1, %mul3A_1 : i32
    "tpu.region"() ({
      %run_scoped3A = tpu.sem_alloc : memref<!tpu.dma_semaphore, #tpu.memory_space<semaphore_mem>>
      %dma_start3A_42 = arith.constant 0 : i32
      %dma_start3A_43 = tpu.memref_slice %arg12[%mul3A_2, %dma_start3A_42] : memref<10112x32xf32, #tpu.memory_space<vmem_shared>> -> memref<632x32xf32, #tpu.memory_space<vmem_shared>>
      %dma_start3A_44 = arith.constant 0 : i32
      %dma_start3A_45 = tpu.memref_slice %arg5[%mul3A_2, %dma_start3A_44] : memref<10112x32xf32, #tpu.memory_space<hbm>> -> memref<632x32xf32, #tpu.memory_space<hbm>>
      tpu.enqueue_dma source(%dma_start3A_45 : memref<632x32xf32, #tpu.memory_space<hbm>>) target(%dma_start3A_43 : memref<632x32xf32, #tpu.memory_space<vmem_shared>>) target_semaphore(%run_scoped3A : memref<!tpu.dma_semaphore, #tpu.memory_space<semaphore_mem>>)
      %dma_wait3A_46 = arith.constant 0 : i32
      %dma_wait3A_47 = tpu.memref_slice %arg12[%mul3A_2, %dma_wait3A_46] : memref<10112x32xf32, #tpu.memory_space<vmem_shared>> -> memref<632x32xf32, #tpu.memory_space<vmem_shared>>
      %dma_wait3A_48 = arith.constant 0 : i32
      %dma_wait3A_49 = tpu.memref_slice %arg5[%mul3A_2, %dma_wait3A_48] : memref<10112x32xf32, #tpu.memory_space<hbm>> -> memref<632x32xf32, #tpu.memory_space<hbm>>
      tpu.wait_dma2 semaphore(%run_scoped3A : memref<!tpu.dma_semaphore, #tpu.memory_space<semaphore_mem>>) src(%dma_wait3A_49 : memref<632x32xf32, #tpu.memory_space<hbm>>) dst(%dma_wait3A_47 : memref<632x32xf32, #tpu.memory_space<vmem_shared>>)
      tpu.yield
    }) : () -> ()
    "tpu.region"() ({
      %run_scoped3A = tpu.sem_alloc : memref<!tpu.dma_semaphore, #tpu.memory_space<semaphore_mem>>
      %dma_start3A_42 = arith.constant 0 : i32
      %dma_start3A_43 = arith.constant 0 : i32
      %dma_start3A_44 = tpu.memref_slice %arg3[%add3A, %dma_start3A_42, %dma_start3A_43] : memref<32x80x128xi32, #tpu.memory_space<hbm>> -> memref<1x80x128xi32, #tpu.memory_space<hbm>>
      %dma_start3A_45 = tpu.memref_squeeze %dma_start3A_44 : memref<1x80x128xi32, #tpu.memory_space<hbm>> -> memref<80x128xi32, #tpu.memory_space<hbm>>
      %dma_start3A_46 = arith.constant 0 : i32
      %dma_start3A_47 = arith.constant 0 : i32
      %dma_start3A_48 = tpu.memref_slice %arg3[%add3A, %dma_start3A_46, %dma_start3A_47] : memref<32x80x128xi32, #tpu.memory_space<hbm>> -> memref<1x80x128xi32, #tpu.memory_space<hbm>>
      %dma_start3A_49 = tpu.memref_squeeze %dma_start3A_48 : memref<1x80x128xi32, #tpu.memory_space<hbm>> -> memref<80x128xi32, #tpu.memory_space<hbm>>
      tpu.enqueue_dma source(%dma_start3A_49 : memref<80x128xi32, #tpu.memory_space<hbm>>) target(%arg8 : memref<80x128xi32, #tpu.memory_space<vmem>>) target_semaphore(%run_scoped3A : memref<!tpu.dma_semaphore, #tpu.memory_space<semaphore_mem>>)
      %dma_wait3A_50 = arith.constant 0 : i32
      %dma_wait3A_51 = arith.constant 0 : i32
      %dma_wait3A_52 = tpu.memref_slice %arg3[%add3A, %dma_wait3A_50, %dma_wait3A_51] : memref<32x80x128xi32, #tpu.memory_space<hbm>> -> memref<1x80x128xi32, #tpu.memory_space<hbm>>
      %dma_wait3A_53 = tpu.memref_squeeze %dma_wait3A_52 : memref<1x80x128xi32, #tpu.memory_space<hbm>> -> memref<80x128xi32, #tpu.memory_space<hbm>>
      %dma_wait3A_54 = arith.constant 0 : i32
      %dma_wait3A_55 = arith.constant 0 : i32
      %dma_wait3A_56 = tpu.memref_slice %arg3[%add3A, %dma_wait3A_54, %dma_wait3A_55] : memref<32x80x128xi32, #tpu.memory_space<hbm>> -> memref<1x80x128xi32, #tpu.memory_space<hbm>>
      %dma_wait3A_57 = tpu.memref_squeeze %dma_wait3A_56 : memref<1x80x128xi32, #tpu.memory_space<hbm>> -> memref<80x128xi32, #tpu.memory_space<hbm>>
      tpu.wait_dma2 semaphore(%run_scoped3A : memref<!tpu.dma_semaphore, #tpu.memory_space<semaphore_mem>>) src(%dma_wait3A_57 : memref<80x128xi32, #tpu.memory_space<hbm>>) dst(%arg8 : memref<80x128xi32, #tpu.memory_space<vmem>>)
      tpu.yield
    }) : () -> ()
    "tpu.region"() ({
      %run_scoped3A = tpu.sem_alloc : memref<!tpu.dma_semaphore, #tpu.memory_space<semaphore_mem>>
      %dma_start3A_42 = arith.constant 0 : i32
      %dma_start3A_43 = arith.constant 0 : i32
      %dma_start3A_44 = tpu.memref_slice %arg4[%add3A, %dma_start3A_42, %dma_start3A_43] : memref<32x80x128xi32, #tpu.memory_space<hbm>> -> memref<1x80x128xi32, #tpu.memory_space<hbm>>
      %dma_start3A_45 = tpu.memref_squeeze %dma_start3A_44 : memref<1x80x128xi32, #tpu.memory_space<hbm>> -> memref<80x128xi32, #tpu.memory_space<hbm>>
      %dma_start3A_46 = arith.constant 0 : i32
      %dma_start3A_47 = arith.constant 0 : i32
      %dma_start3A_48 = tpu.memref_slice %arg4[%add3A, %dma_start3A_46, %dma_start3A_47] : memref<32x80x128xi32, #tpu.memory_space<hbm>> -> memref<1x80x128xi32, #tpu.memory_space<hbm>>
      %dma_start3A_49 = tpu.memref_squeeze %dma_start3A_48 : memref<1x80x128xi32, #tpu.memory_space<hbm>> -> memref<80x128xi32, #tpu.memory_space<hbm>>
      tpu.enqueue_dma source(%dma_start3A_49 : memref<80x128xi32, #tpu.memory_space<hbm>>) target(%arg9 : memref<80x128xi32, #tpu.memory_space<vmem>>) target_semaphore(%run_scoped3A : memref<!tpu.dma_semaphore, #tpu.memory_space<semaphore_mem>>)
      %dma_wait3A_50 = arith.constant 0 : i32
      %dma_wait3A_51 = arith.constant 0 : i32
      %dma_wait3A_52 = tpu.memref_slice %arg4[%add3A, %dma_wait3A_50, %dma_wait3A_51] : memref<32x80x128xi32, #tpu.memory_space<hbm>> -> memref<1x80x128xi32, #tpu.memory_space<hbm>>
      %dma_wait3A_53 = tpu.memref_squeeze %dma_wait3A_52 : memref<1x80x128xi32, #tpu.memory_space<hbm>> -> memref<80x128xi32, #tpu.memory_space<hbm>>
      %dma_wait3A_54 = arith.constant 0 : i32
      %dma_wait3A_55 = arith.constant 0 : i32
      %dma_wait3A_56 = tpu.memref_slice %arg4[%add3A, %dma_wait3A_54, %dma_wait3A_55] : memref<32x80x128xi32, #tpu.memory_space<hbm>> -> memref<1x80x128xi32, #tpu.memory_space<hbm>>
      %dma_wait3A_57 = tpu.memref_squeeze %dma_wait3A_56 : memref<1x80x128xi32, #tpu.memory_space<hbm>> -> memref<80x128xi32, #tpu.memory_space<hbm>>
      tpu.wait_dma2 semaphore(%run_scoped3A : memref<!tpu.dma_semaphore, #tpu.memory_space<semaphore_mem>>) src(%dma_wait3A_57 : memref<80x128xi32, #tpu.memory_space<hbm>>) dst(%arg9 : memref<80x128xi32, #tpu.memory_space<vmem>>)
      tpu.yield
    }) : () -> ()
    %barrier3A = arith.constant 0 : index
    tpu.barrier barrier_id(%barrier3A)
    %dma_start3A = arith.constant 0 : i32
    %dma_start3A_3 = arith.constant 0 : i32
    %dma_start3A_4 = tpu.memref_slice %arg8[%dma_start3A, %dma_start3A_3] : memref<80x128xi32, #tpu.memory_space<vmem>> -> memref<1x128xi32, #tpu.memory_space<vmem>>
    %dma_start3A_5 = tpu.memref_squeeze %dma_start3A_4 : memref<1x128xi32, #tpu.memory_space<vmem>> -> memref<128xi32, #tpu.memory_space<vmem>>
    %dma_start3A_6 = arith.constant 0 : i32
    %dma_start3A_7 = arith.constant 0 : i32
    %dma_start3A_8 = tpu.memref_slice %arg2[%dma_start3A_6, %dma_start3A_7] : memref<10112x32xf32, #tpu.memory_space<hbm>> -> memref<10112x32xf32, #tpu.memory_space<hbm>>
    tpu.enqueue_indirect_dma source(%dma_start3A_8 : memref<10112x32xf32, #tpu.memory_space<hbm>>) target(%arg10 : memref<128x32xf32, #tpu.memory_space<vmem>>) offsets(%dma_start3A_5 : memref<128xi32, #tpu.memory_space<vmem>>) semaphore(%arg13 : memref<!tpu.dma_semaphore, #tpu.memory_space<semaphore_mem>>)
    %dma_start3A_9 = arith.constant 1 : i32
    %dma_start3A_10 = arith.constant 0 : i32
    %dma_start3A_11 = tpu.memref_slice %arg8[%dma_start3A_9, %dma_start3A_10] : memref<80x128xi32, #tpu.memory_space<vmem>> -> memref<1x128xi32, #tpu.memory_space<vmem>>
    %dma_start3A_12 = tpu.memref_squeeze %dma_start3A_11 : memref<1x128xi32, #tpu.memory_space<vmem>> -> memref<128xi32, #tpu.memory_space<vmem>>
    %dma_start3A_13 = arith.constant 0 : i32
    %dma_start3A_14 = arith.constant 0 : i32
    %dma_start3A_15 = tpu.memref_slice %arg2[%dma_start3A_13, %dma_start3A_14] : memref<10112x32xf32, #tpu.memory_space<hbm>> -> memref<10112x32xf32, #tpu.memory_space<hbm>>
    tpu.enqueue_indirect_dma source(%dma_start3A_15 : memref<10112x32xf32, #tpu.memory_space<hbm>>) target(%arg11 : memref<128x32xf32, #tpu.memory_space<vmem>>) offsets(%dma_start3A_12 : memref<128xi32, #tpu.memory_space<vmem>>) semaphore(%arg14 : memref<!tpu.dma_semaphore, #tpu.memory_space<semaphore_mem>>)
    %scan3A = arith.constant 0 : i32
    %scan3A_16 = arith.constant 0 : i32
    %scan3A_17 = arith.constant 40 : i32
    %scan3A_18 = arith.addi %scan3A_16, %scan3A_17 : i32
    %scan3A_19 = arith.constant 1 : i32
    scf.for %scan3A_42 = %scan3A_16 to %scan3A_18 step %scan3A_19  : i32 {
      %mul3A_43 = arith.constant 2 : i32
      %mul3A_44 = arith.muli %mul3A_43, %scan3A_42 : i32
      %mul3A_45 = arith.constant 2 : i32
      %mul3A_46 = arith.muli %mul3A_45, %scan3A_42 : i32
      %add3A_47 = arith.constant 1 : i32
      %add3A_48 = arith.addi %mul3A_46, %add3A_47 : i32
      %dma_wait3A_49 = arith.constant 0 : i32
      %dma_wait3A_50 = tpu.memref_slice %arg8[%mul3A_44, %dma_wait3A_49] : memref<80x128xi32, #tpu.memory_space<vmem>> -> memref<1x128xi32, #tpu.memory_space<vmem>>
      %dma_wait3A_51 = tpu.memref_squeeze %dma_wait3A_50 : memref<1x128xi32, #tpu.memory_space<vmem>> -> memref<128xi32, #tpu.memory_space<vmem>>
      %dma_wait3A_52 = arith.constant 0 : i32
      %dma_wait3A_53 = arith.constant 0 : i32
      %dma_wait3A_54 = tpu.memref_slice %arg2[%dma_wait3A_52, %dma_wait3A_53] : memref<10112x32xf32, #tpu.memory_space<hbm>> -> memref<10112x32xf32, #tpu.memory_space<hbm>>
      tpu.wait_indirect_dma semaphore(%arg13 : memref<!tpu.dma_semaphore, #tpu.memory_space<semaphore_mem>>) src(%dma_wait3A_54 : memref<10112x32xf32, #tpu.memory_space<hbm>>) dst(%arg10 : memref<128x32xf32, #tpu.memory_space<vmem>>)
      %dma_start3A_55 = arith.constant 0 : i32
      %dma_start3A_56 = tpu.memref_slice %arg9[%mul3A_44, %dma_start3A_55] : memref<80x128xi32, #tpu.memory_space<vmem>> -> memref<1x128xi32, #tpu.memory_space<vmem>>
      %dma_start3A_57 = tpu.memref_squeeze %dma_start3A_56 : memref<1x128xi32, #tpu.memory_space<vmem>> -> memref<128xi32, #tpu.memory_space<vmem>>
      %dma_start3A_58 = arith.constant 0 : i32
      %dma_start3A_59 = arith.constant 0 : i32
      %dma_start3A_60 = tpu.memref_slice %arg12[%dma_start3A_58, %dma_start3A_59] : memref<10112x32xf32, #tpu.memory_space<vmem_shared>> -> memref<10112x32xf32, #tpu.memory_space<vmem_shared>>
      tpu.enqueue_indirect_dma source(%arg10 : memref<128x32xf32, #tpu.memory_space<vmem>>) target(%dma_start3A_60 : memref<10112x32xf32, #tpu.memory_space<vmem_shared>>) offsets(%dma_start3A_57 : memref<128xi32, #tpu.memory_space<vmem>>) semaphore(%arg15 : memref<!tpu.dma_semaphore, #tpu.memory_space<semaphore_mem>>) {add = true}
      %dma_wait3A_61 = arith.constant 0 : i32
      %dma_wait3A_62 = tpu.memref_slice %arg8[%add3A_48, %dma_wait3A_61] : memref<80x128xi32, #tpu.memory_space<vmem>> -> memref<1x128xi32, #tpu.memory_space<vmem>>
      %dma_wait3A_63 = tpu.memref_squeeze %dma_wait3A_62 : memref<1x128xi32, #tpu.memory_space<vmem>> -> memref<128xi32, #tpu.memory_space<vmem>>
      %dma_wait3A_64 = arith.constant 0 : i32
      %dma_wait3A_65 = arith.constant 0 : i32
      %dma_wait3A_66 = tpu.memref_slice %arg2[%dma_wait3A_64, %dma_wait3A_65] : memref<10112x32xf32, #tpu.memory_space<hbm>> -> memref<10112x32xf32, #tpu.memory_space<hbm>>
      tpu.wait_indirect_dma semaphore(%arg14 : memref<!tpu.dma_semaphore, #tpu.memory_space<semaphore_mem>>) src(%dma_wait3A_66 : memref<10112x32xf32, #tpu.memory_space<hbm>>) dst(%arg11 : memref<128x32xf32, #tpu.memory_space<vmem>>)
      %dma_start3A_67 = arith.constant 0 : i32
      %dma_start3A_68 = tpu.memref_slice %arg9[%add3A_48, %dma_start3A_67] : memref<80x128xi32, #tpu.memory_space<vmem>> -> memref<1x128xi32, #tpu.memory_space<vmem>>
      %dma_start3A_69 = tpu.memref_squeeze %dma_start3A_68 : memref<1x128xi32, #tpu.memory_space<vmem>> -> memref<128xi32, #tpu.memory_space<vmem>>
      %dma_start3A_70 = arith.constant 0 : i32
      %dma_start3A_71 = arith.constant 0 : i32
      %dma_start3A_72 = tpu.memref_slice %arg12[%dma_start3A_70, %dma_start3A_71] : memref<10112x32xf32, #tpu.memory_space<vmem_shared>> -> memref<10112x32xf32, #tpu.memory_space<vmem_shared>>
      tpu.enqueue_indirect_dma source(%arg11 : memref<128x32xf32, #tpu.memory_space<vmem>>) target(%dma_start3A_72 : memref<10112x32xf32, #tpu.memory_space<vmem_shared>>) offsets(%dma_start3A_69 : memref<128xi32, #tpu.memory_space<vmem>>) semaphore(%arg16 : memref<!tpu.dma_semaphore, #tpu.memory_space<semaphore_mem>>) {add = true}
      %add3A_73 = arith.constant 2 : i32
      %add3A_74 = arith.addi %mul3A_44, %add3A_73 : i32
      %min3A = arith.constant 79 : i32
      %min3A_75 = arith.minsi %add3A_74, %min3A : i32
      %add3A_76 = arith.constant 2 : i32
      %add3A_77 = arith.addi %add3A_48, %add3A_76 : i32
      %min3A_78 = arith.constant 79 : i32
      %min3A_79 = arith.minsi %add3A_77, %min3A_78 : i32
      %dma_wait3A_80 = arith.constant 0 : i32
      %dma_wait3A_81 = tpu.memref_slice %arg9[%mul3A_44, %dma_wait3A_80] : memref<80x128xi32, #tpu.memory_space<vmem>> -> memref<1x128xi32, #tpu.memory_space<vmem>>
      %dma_wait3A_82 = tpu.memref_squeeze %dma_wait3A_81 : memref<1x128xi32, #tpu.memory_space<vmem>> -> memref<128xi32, #tpu.memory_space<vmem>>
      %dma_wait3A_83 = arith.constant 0 : i32
      %dma_wait3A_84 = arith.constant 0 : i32
      %dma_wait3A_85 = tpu.memref_slice %arg12[%dma_wait3A_83, %dma_wait3A_84] : memref<10112x32xf32, #tpu.memory_space<vmem_shared>> -> memref<10112x32xf32, #tpu.memory_space<vmem_shared>>
      tpu.wait_indirect_dma semaphore(%arg15 : memref<!tpu.dma_semaphore, #tpu.memory_space<semaphore_mem>>) src(%arg10 : memref<128x32xf32, #tpu.memory_space<vmem>>) dst(%dma_wait3A_85 : memref<10112x32xf32, #tpu.memory_space<vmem_shared>>)
      %dma_start3A_86 = arith.constant 0 : i32
      %dma_start3A_87 = tpu.memref_slice %arg8[%min3A_75, %dma_start3A_86] : memref<80x128xi32, #tpu.memory_space<vmem>> -> memref<1x128xi32, #tpu.memory_space<vmem>>
      %dma_start3A_88 = tpu.memref_squeeze %dma_start3A_87 : memref<1x128xi32, #tpu.memory_space<vmem>> -> memref<128xi32, #tpu.memory_space<vmem>>
      %dma_start3A_89 = arith.constant 0 : i32
      %dma_start3A_90 = arith.constant 0 : i32
      %dma_start3A_91 = tpu.memref_slice %arg2[%dma_start3A_89, %dma_start3A_90] : memref<10112x32xf32, #tpu.memory_space<hbm>> -> memref<10112x32xf32, #tpu.memory_space<hbm>>
      tpu.enqueue_indirect_dma source(%dma_start3A_91 : memref<10112x32xf32, #tpu.memory_space<hbm>>) target(%arg10 : memref<128x32xf32, #tpu.memory_space<vmem>>) offsets(%dma_start3A_88 : memref<128xi32, #tpu.memory_space<vmem>>) semaphore(%arg13 : memref<!tpu.dma_semaphore, #tpu.memory_space<semaphore_mem>>)
      %dma_wait3A_92 = arith.constant 0 : i32
      %dma_wait3A_93 = tpu.memref_slice %arg9[%add3A_48, %dma_wait3A_92] : memref<80x128xi32, #tpu.memory_space<vmem>> -> memref<1x128xi32, #tpu.memory_space<vmem>>
      %dma_wait3A_94 = tpu.memref_squeeze %dma_wait3A_93 : memref<1x128xi32, #tpu.memory_space<vmem>> -> memref<128xi32, #tpu.memory_space<vmem>>
      %dma_wait3A_95 = arith.constant 0 : i32
      %dma_wait3A_96 = arith.constant 0 : i32
      %dma_wait3A_97 = tpu.memref_slice %arg12[%dma_wait3A_95, %dma_wait3A_96] : memref<10112x32xf32, #tpu.memory_space<vmem_shared>> -> memref<10112x32xf32, #tpu.memory_space<vmem_shared>>
      tpu.wait_indirect_dma semaphore(%arg16 : memref<!tpu.dma_semaphore, #tpu.memory_space<semaphore_mem>>) src(%arg11 : memref<128x32xf32, #tpu.memory_space<vmem>>) dst(%dma_wait3A_97 : memref<10112x32xf32, #tpu.memory_space<vmem_shared>>)
      %dma_start3A_98 = arith.constant 0 : i32
      %dma_start3A_99 = tpu.memref_slice %arg8[%min3A_79, %dma_start3A_98] : memref<80x128xi32, #tpu.memory_space<vmem>> -> memref<1x128xi32, #tpu.memory_space<vmem>>
      %dma_start3A_100 = tpu.memref_squeeze %dma_start3A_99 : memref<1x128xi32, #tpu.memory_space<vmem>> -> memref<128xi32, #tpu.memory_space<vmem>>
      %dma_start3A_101 = arith.constant 0 : i32
      %dma_start3A_102 = arith.constant 0 : i32
      %dma_start3A_103 = tpu.memref_slice %arg2[%dma_start3A_101, %dma_start3A_102] : memref<10112x32xf32, #tpu.memory_space<hbm>> -> memref<10112x32xf32, #tpu.memory_space<hbm>>
      tpu.enqueue_indirect_dma source(%dma_start3A_103 : memref<10112x32xf32, #tpu.memory_space<hbm>>) target(%arg11 : memref<128x32xf32, #tpu.memory_space<vmem>>) offsets(%dma_start3A_100 : memref<128xi32, #tpu.memory_space<vmem>>) semaphore(%arg14 : memref<!tpu.dma_semaphore, #tpu.memory_space<semaphore_mem>>)
    }
    %scan3A_20 = arith.constant 40 : i32
    %dma_wait3A = arith.constant 0 : i32
    %dma_wait3A_21 = arith.constant 0 : i32
    %dma_wait3A_22 = tpu.memref_slice %arg8[%dma_wait3A, %dma_wait3A_21] : memref<80x128xi32, #tpu.memory_space<vmem>> -> memref<1x128xi32, #tpu.memory_space<vmem>>
    %dma_wait3A_23 = tpu.memref_squeeze %dma_wait3A_22 : memref<1x128xi32, #tpu.memory_space<vmem>> -> memref<128xi32, #tpu.memory_space<vmem>>
    %dma_wait3A_24 = arith.constant 0 : i32
    %dma_wait3A_25 = arith.constant 0 : i32
    %dma_wait3A_26 = tpu.memref_slice %arg2[%dma_wait3A_24, %dma_wait3A_25] : memref<10112x32xf32, #tpu.memory_space<hbm>> -> memref<10112x32xf32, #tpu.memory_space<hbm>>
    tpu.wait_indirect_dma semaphore(%arg13 : memref<!tpu.dma_semaphore, #tpu.memory_space<semaphore_mem>>) src(%dma_wait3A_26 : memref<10112x32xf32, #tpu.memory_space<hbm>>) dst(%arg10 : memref<128x32xf32, #tpu.memory_space<vmem>>)
    %dma_wait3A_27 = arith.constant 1 : i32
    %dma_wait3A_28 = arith.constant 0 : i32
    %dma_wait3A_29 = tpu.memref_slice %arg8[%dma_wait3A_27, %dma_wait3A_28] : memref<80x128xi32, #tpu.memory_space<vmem>> -> memref<1x128xi32, #tpu.memory_space<vmem>>
    %dma_wait3A_30 = tpu.memref_squeeze %dma_wait3A_29 : memref<1x128xi32, #tpu.memory_space<vmem>> -> memref<128xi32, #tpu.memory_space<vmem>>
    %dma_wait3A_31 = arith.constant 0 : i32
    %dma_wait3A_32 = arith.constant 0 : i32
    %dma_wait3A_33 = tpu.memref_slice %arg2[%dma_wait3A_31, %dma_wait3A_32] : memref<10112x32xf32, #tpu.memory_space<hbm>> -> memref<10112x32xf32, #tpu.memory_space<hbm>>
    tpu.wait_indirect_dma semaphore(%arg14 : memref<!tpu.dma_semaphore, #tpu.memory_space<semaphore_mem>>) src(%dma_wait3A_33 : memref<10112x32xf32, #tpu.memory_space<hbm>>) dst(%arg11 : memref<128x32xf32, #tpu.memory_space<vmem>>)
    %barrier3A_34 = arith.constant 0 : index
    tpu.barrier barrier_id(%barrier3A_34)
    %eq3A = arith.constant 0 : i32
    %eq3A_35 = arith.cmpi eq, %arg0, %eq3A : i32
    %convert_element_type3A = arith.extui %eq3A_35 : i1 to i32
    %cond3A = arith.constant 0 : i32
    %cond3A_36 = arith.cmpi ne, %convert_element_type3A, %cond3A : i32
    scf.if %cond3A_36 {
      "tpu.region"() ({
        %run_scoped3A = tpu.sem_alloc : memref<!tpu.dma_semaphore, #tpu.memory_space<semaphore_mem>>
        %dma_start3A_42 = arith.constant 0 : i32
        %dma_start3A_43 = tpu.memref_slice %arg6[%mul3A_2, %dma_start3A_42] : memref<10112x32xf32, #tpu.memory_space<hbm>> -> memref<632x32xf32, #tpu.memory_space<hbm>>
        %dma_start3A_44 = arith.constant 0 : i32
        %dma_start3A_45 = tpu.memref_slice %arg12[%mul3A_2, %dma_start3A_44] : memref<10112x32xf32, #tpu.memory_space<vmem_shared>> -> memref<632x32xf32, #tpu.memory_space<vmem_shared>>
        tpu.enqueue_dma source(%dma_start3A_45 : memref<632x32xf32, #tpu.memory_space<vmem_shared>>) target(%dma_start3A_43 : memref<632x32xf32, #tpu.memory_space<hbm>>) target_semaphore(%run_scoped3A : memref<!tpu.dma_semaphore, #tpu.memory_space<semaphore_mem>>)
        %dma_wait3A_46 = arith.constant 0 : i32
        %dma_wait3A_47 = tpu.memref_slice %arg6[%mul3A_2, %dma_wait3A_46] : memref<10112x32xf32, #tpu.memory_space<hbm>> -> memref<632x32xf32, #tpu.memory_space<hbm>>
        %dma_wait3A_48 = arith.constant 0 : i32
        %dma_wait3A_49 = tpu.memref_slice %arg12[%mul3A_2, %dma_wait3A_48] : memref<10112x32xf32, #tpu.memory_space<vmem_shared>> -> memref<632x32xf32, #tpu.memory_space<vmem_shared>>
        tpu.wait_dma2 semaphore(%run_scoped3A : memref<!tpu.dma_semaphore, #tpu.memory_space<semaphore_mem>>) src(%dma_wait3A_49 : memref<632x32xf32, #tpu.memory_space<vmem_shared>>) dst(%dma_wait3A_47 : memref<632x32xf32, #tpu.memory_space<hbm>>)
        tpu.yield
      }) : () -> ()
    } else {
    }
    %eq3A_37 = arith.constant 1 : i32
    %eq3A_38 = arith.cmpi eq, %arg0, %eq3A_37 : i32
    %convert_element_type3A_39 = arith.extui %eq3A_38 : i1 to i32
    %cond3A_40 = arith.constant 0 : i32
    %cond3A_41 = arith.cmpi ne, %convert_element_type3A_39, %cond3A_40 : i32
    scf.if %cond3A_41 {
      "tpu.region"() ({
        %run_scoped3A = tpu.sem_alloc : memref<!tpu.dma_semaphore, #tpu.memory_space<semaphore_mem>>
        %dma_start3A_42 = arith.constant 0 : i32
        %dma_start3A_43 = tpu.memref_slice %arg7[%mul3A_2, %dma_start3A_42] : memref<10112x32xf32, #tpu.memory_space<hbm>> -> memref<632x32xf32, #tpu.memory_space<hbm>>
        %dma_start3A_44 = arith.constant 0 : i32
        %dma_start3A_45 = tpu.memref_slice %arg12[%mul3A_2, %dma_start3A_44] : memref<10112x32xf32, #tpu.memory_space<vmem_shared>> -> memref<632x32xf32, #tpu.memory_space<vmem_shared>>
        tpu.enqueue_dma source(%dma_start3A_45 : memref<632x32xf32, #tpu.memory_space<vmem_shared>>) target(%dma_start3A_43 : memref<632x32xf32, #tpu.memory_space<hbm>>) target_semaphore(%run_scoped3A : memref<!tpu.dma_semaphore, #tpu.memory_space<semaphore_mem>>)
        %dma_wait3A_46 = arith.constant 0 : i32
        %dma_wait3A_47 = tpu.memref_slice %arg7[%mul3A_2, %dma_wait3A_46] : memref<10112x32xf32, #tpu.memory_space<hbm>> -> memref<632x32xf32, #tpu.memory_space<hbm>>
        %dma_wait3A_48 = arith.constant 0 : i32
        %dma_wait3A_49 = tpu.memref_slice %arg12[%mul3A_2, %dma_wait3A_48] : memref<10112x32xf32, #tpu.memory_space<vmem_shared>> -> memref<632x32xf32, #tpu.memory_space<vmem_shared>>
        tpu.wait_dma2 semaphore(%run_scoped3A : memref<!tpu.dma_semaphore, #tpu.memory_space<semaphore_mem>>) src(%dma_wait3A_49 : memref<632x32xf32, #tpu.memory_space<vmem_shared>>) dst(%dma_wait3A_47 : memref<632x32xf32, #tpu.memory_space<hbm>>)
        tpu.yield
      }) : () -> ()
    } else {
    }
    return
  }
}

#map = affine_map<(d0, d1) -> (0, 0)>
#map1 = affine_map<(d0, d1) -> (0, 0, 0)>
module attributes {stable_mosaic.version = 14 : i64} {
  func.func @seg(%arg0: i32, %arg1: i32, %arg2: memref<10112x112xf32, #tpu.memory_space<hbm>>, %arg3: memref<32x80x128xi32, #tpu.memory_space<hbm>>, %arg4: memref<32x80x128xi32, #tpu.memory_space<hbm>>, %arg5: memref<10112x112xf32, #tpu.memory_space<hbm>>, %arg6: memref<10112x112xf32, #tpu.memory_space<hbm>>, %arg7: memref<10112x112xf32, #tpu.memory_space<hbm>>, %arg8: memref<80x128xi32, #tpu.memory_space<vmem>>, %arg9: memref<80x128xi32, #tpu.memory_space<vmem>>, %arg10: memref<128x112xf32, #tpu.memory_space<vmem>>, %arg11: memref<128x112xf32, #tpu.memory_space<vmem>>, %arg12: memref<10112x112xf32, #tpu.memory_space<vmem_shared>>, %arg13: memref<!tpu.dma_semaphore, #tpu.memory_space<semaphore_mem>>, %arg14: memref<!tpu.dma_semaphore, #tpu.memory_space<semaphore_mem>>, %arg15: memref<!tpu.dma_semaphore, #tpu.memory_space<semaphore_mem>>, %arg16: memref<!tpu.dma_semaphore, #tpu.memory_space<semaphore_mem>>) attributes {dimension_semantics = [#tpu.dimension_semantics<core_parallel>, #tpu.dimension_semantics<subcore_parallel>], iteration_bounds = array<i64: 2, 16>, scalar_prefetch = 0 : i64, scratch_operands = 9 : i64, tpu.core_type = #tpu.core_type<sc_vector_subcore>, window_params = [{transform_indices = #map}, {transform_indices = #map1}, {transform_indices = #map1}, {transform_indices = #map}, {transform_indices = #map}, {transform_indices = #map}]} {
    %mul3A = arith.constant 16 : i32
    %mul3A_0 = arith.muli %arg0, %mul3A : i32
    %add3A = arith.addi %mul3A_0, %arg1 : i32
    %mul3A_1 = arith.constant 632 : i32
    %mul3A_2 = arith.muli %arg1, %mul3A_1 : i32
    "tpu.region"() ({
      %run_scoped3A = tpu.sem_alloc : memref<!tpu.dma_semaphore, #tpu.memory_space<semaphore_mem>>
      %dma_start3A_42 = arith.constant 0 : i32
      %dma_start3A_43 = tpu.memref_slice %arg12[%mul3A_2, %dma_start3A_42] : memref<10112x112xf32, #tpu.memory_space<vmem_shared>> -> memref<632x112xf32, #tpu.memory_space<vmem_shared>>
      %dma_start3A_44 = arith.constant 0 : i32
      %dma_start3A_45 = tpu.memref_slice %arg5[%mul3A_2, %dma_start3A_44] : memref<10112x112xf32, #tpu.memory_space<hbm>> -> memref<632x112xf32, #tpu.memory_space<hbm>>
      tpu.enqueue_dma source(%dma_start3A_45 : memref<632x112xf32, #tpu.memory_space<hbm>>) target(%dma_start3A_43 : memref<632x112xf32, #tpu.memory_space<vmem_shared>>) target_semaphore(%run_scoped3A : memref<!tpu.dma_semaphore, #tpu.memory_space<semaphore_mem>>)
      %dma_wait3A_46 = arith.constant 0 : i32
      %dma_wait3A_47 = tpu.memref_slice %arg12[%mul3A_2, %dma_wait3A_46] : memref<10112x112xf32, #tpu.memory_space<vmem_shared>> -> memref<632x112xf32, #tpu.memory_space<vmem_shared>>
      %dma_wait3A_48 = arith.constant 0 : i32
      %dma_wait3A_49 = tpu.memref_slice %arg5[%mul3A_2, %dma_wait3A_48] : memref<10112x112xf32, #tpu.memory_space<hbm>> -> memref<632x112xf32, #tpu.memory_space<hbm>>
      tpu.wait_dma2 semaphore(%run_scoped3A : memref<!tpu.dma_semaphore, #tpu.memory_space<semaphore_mem>>) src(%dma_wait3A_49 : memref<632x112xf32, #tpu.memory_space<hbm>>) dst(%dma_wait3A_47 : memref<632x112xf32, #tpu.memory_space<vmem_shared>>)
      tpu.yield
    }) : () -> ()
    "tpu.region"() ({
      %run_scoped3A = tpu.sem_alloc : memref<!tpu.dma_semaphore, #tpu.memory_space<semaphore_mem>>
      %dma_start3A_42 = arith.constant 0 : i32
      %dma_start3A_43 = arith.constant 0 : i32
      %dma_start3A_44 = tpu.memref_slice %arg3[%add3A, %dma_start3A_42, %dma_start3A_43] : memref<32x80x128xi32, #tpu.memory_space<hbm>> -> memref<1x80x128xi32, #tpu.memory_space<hbm>>
      %dma_start3A_45 = tpu.memref_squeeze %dma_start3A_44 : memref<1x80x128xi32, #tpu.memory_space<hbm>> -> memref<80x128xi32, #tpu.memory_space<hbm>>
      %dma_start3A_46 = arith.constant 0 : i32
      %dma_start3A_47 = arith.constant 0 : i32
      %dma_start3A_48 = tpu.memref_slice %arg3[%add3A, %dma_start3A_46, %dma_start3A_47] : memref<32x80x128xi32, #tpu.memory_space<hbm>> -> memref<1x80x128xi32, #tpu.memory_space<hbm>>
      %dma_start3A_49 = tpu.memref_squeeze %dma_start3A_48 : memref<1x80x128xi32, #tpu.memory_space<hbm>> -> memref<80x128xi32, #tpu.memory_space<hbm>>
      tpu.enqueue_dma source(%dma_start3A_49 : memref<80x128xi32, #tpu.memory_space<hbm>>) target(%arg8 : memref<80x128xi32, #tpu.memory_space<vmem>>) target_semaphore(%run_scoped3A : memref<!tpu.dma_semaphore, #tpu.memory_space<semaphore_mem>>)
      %dma_wait3A_50 = arith.constant 0 : i32
      %dma_wait3A_51 = arith.constant 0 : i32
      %dma_wait3A_52 = tpu.memref_slice %arg3[%add3A, %dma_wait3A_50, %dma_wait3A_51] : memref<32x80x128xi32, #tpu.memory_space<hbm>> -> memref<1x80x128xi32, #tpu.memory_space<hbm>>
      %dma_wait3A_53 = tpu.memref_squeeze %dma_wait3A_52 : memref<1x80x128xi32, #tpu.memory_space<hbm>> -> memref<80x128xi32, #tpu.memory_space<hbm>>
      %dma_wait3A_54 = arith.constant 0 : i32
      %dma_wait3A_55 = arith.constant 0 : i32
      %dma_wait3A_56 = tpu.memref_slice %arg3[%add3A, %dma_wait3A_54, %dma_wait3A_55] : memref<32x80x128xi32, #tpu.memory_space<hbm>> -> memref<1x80x128xi32, #tpu.memory_space<hbm>>
      %dma_wait3A_57 = tpu.memref_squeeze %dma_wait3A_56 : memref<1x80x128xi32, #tpu.memory_space<hbm>> -> memref<80x128xi32, #tpu.memory_space<hbm>>
      tpu.wait_dma2 semaphore(%run_scoped3A : memref<!tpu.dma_semaphore, #tpu.memory_space<semaphore_mem>>) src(%dma_wait3A_57 : memref<80x128xi32, #tpu.memory_space<hbm>>) dst(%arg8 : memref<80x128xi32, #tpu.memory_space<vmem>>)
      tpu.yield
    }) : () -> ()
    "tpu.region"() ({
      %run_scoped3A = tpu.sem_alloc : memref<!tpu.dma_semaphore, #tpu.memory_space<semaphore_mem>>
      %dma_start3A_42 = arith.constant 0 : i32
      %dma_start3A_43 = arith.constant 0 : i32
      %dma_start3A_44 = tpu.memref_slice %arg4[%add3A, %dma_start3A_42, %dma_start3A_43] : memref<32x80x128xi32, #tpu.memory_space<hbm>> -> memref<1x80x128xi32, #tpu.memory_space<hbm>>
      %dma_start3A_45 = tpu.memref_squeeze %dma_start3A_44 : memref<1x80x128xi32, #tpu.memory_space<hbm>> -> memref<80x128xi32, #tpu.memory_space<hbm>>
      %dma_start3A_46 = arith.constant 0 : i32
      %dma_start3A_47 = arith.constant 0 : i32
      %dma_start3A_48 = tpu.memref_slice %arg4[%add3A, %dma_start3A_46, %dma_start3A_47] : memref<32x80x128xi32, #tpu.memory_space<hbm>> -> memref<1x80x128xi32, #tpu.memory_space<hbm>>
      %dma_start3A_49 = tpu.memref_squeeze %dma_start3A_48 : memref<1x80x128xi32, #tpu.memory_space<hbm>> -> memref<80x128xi32, #tpu.memory_space<hbm>>
      tpu.enqueue_dma source(%dma_start3A_49 : memref<80x128xi32, #tpu.memory_space<hbm>>) target(%arg9 : memref<80x128xi32, #tpu.memory_space<vmem>>) target_semaphore(%run_scoped3A : memref<!tpu.dma_semaphore, #tpu.memory_space<semaphore_mem>>)
      %dma_wait3A_50 = arith.constant 0 : i32
      %dma_wait3A_51 = arith.constant 0 : i32
      %dma_wait3A_52 = tpu.memref_slice %arg4[%add3A, %dma_wait3A_50, %dma_wait3A_51] : memref<32x80x128xi32, #tpu.memory_space<hbm>> -> memref<1x80x128xi32, #tpu.memory_space<hbm>>
      %dma_wait3A_53 = tpu.memref_squeeze %dma_wait3A_52 : memref<1x80x128xi32, #tpu.memory_space<hbm>> -> memref<80x128xi32, #tpu.memory_space<hbm>>
      %dma_wait3A_54 = arith.constant 0 : i32
      %dma_wait3A_55 = arith.constant 0 : i32
      %dma_wait3A_56 = tpu.memref_slice %arg4[%add3A, %dma_wait3A_54, %dma_wait3A_55] : memref<32x80x128xi32, #tpu.memory_space<hbm>> -> memref<1x80x128xi32, #tpu.memory_space<hbm>>
      %dma_wait3A_57 = tpu.memref_squeeze %dma_wait3A_56 : memref<1x80x128xi32, #tpu.memory_space<hbm>> -> memref<80x128xi32, #tpu.memory_space<hbm>>
      tpu.wait_dma2 semaphore(%run_scoped3A : memref<!tpu.dma_semaphore, #tpu.memory_space<semaphore_mem>>) src(%dma_wait3A_57 : memref<80x128xi32, #tpu.memory_space<hbm>>) dst(%arg9 : memref<80x128xi32, #tpu.memory_space<vmem>>)
      tpu.yield
    }) : () -> ()
    %barrier3A = arith.constant 0 : index
    tpu.barrier barrier_id(%barrier3A)
    %dma_start3A = arith.constant 0 : i32
    %dma_start3A_3 = arith.constant 0 : i32
    %dma_start3A_4 = tpu.memref_slice %arg8[%dma_start3A, %dma_start3A_3] : memref<80x128xi32, #tpu.memory_space<vmem>> -> memref<1x128xi32, #tpu.memory_space<vmem>>
    %dma_start3A_5 = tpu.memref_squeeze %dma_start3A_4 : memref<1x128xi32, #tpu.memory_space<vmem>> -> memref<128xi32, #tpu.memory_space<vmem>>
    %dma_start3A_6 = arith.constant 0 : i32
    %dma_start3A_7 = arith.constant 0 : i32
    %dma_start3A_8 = tpu.memref_slice %arg2[%dma_start3A_6, %dma_start3A_7] : memref<10112x112xf32, #tpu.memory_space<hbm>> -> memref<10112x112xf32, #tpu.memory_space<hbm>>
    tpu.enqueue_indirect_dma source(%dma_start3A_8 : memref<10112x112xf32, #tpu.memory_space<hbm>>) target(%arg10 : memref<128x112xf32, #tpu.memory_space<vmem>>) offsets(%dma_start3A_5 : memref<128xi32, #tpu.memory_space<vmem>>) semaphore(%arg13 : memref<!tpu.dma_semaphore, #tpu.memory_space<semaphore_mem>>)
    %dma_start3A_9 = arith.constant 1 : i32
    %dma_start3A_10 = arith.constant 0 : i32
    %dma_start3A_11 = tpu.memref_slice %arg8[%dma_start3A_9, %dma_start3A_10] : memref<80x128xi32, #tpu.memory_space<vmem>> -> memref<1x128xi32, #tpu.memory_space<vmem>>
    %dma_start3A_12 = tpu.memref_squeeze %dma_start3A_11 : memref<1x128xi32, #tpu.memory_space<vmem>> -> memref<128xi32, #tpu.memory_space<vmem>>
    %dma_start3A_13 = arith.constant 0 : i32
    %dma_start3A_14 = arith.constant 0 : i32
    %dma_start3A_15 = tpu.memref_slice %arg2[%dma_start3A_13, %dma_start3A_14] : memref<10112x112xf32, #tpu.memory_space<hbm>> -> memref<10112x112xf32, #tpu.memory_space<hbm>>
    tpu.enqueue_indirect_dma source(%dma_start3A_15 : memref<10112x112xf32, #tpu.memory_space<hbm>>) target(%arg11 : memref<128x112xf32, #tpu.memory_space<vmem>>) offsets(%dma_start3A_12 : memref<128xi32, #tpu.memory_space<vmem>>) semaphore(%arg14 : memref<!tpu.dma_semaphore, #tpu.memory_space<semaphore_mem>>)
    %scan3A = arith.constant 0 : i32
    %scan3A_16 = arith.constant 0 : i32
    %scan3A_17 = arith.constant 40 : i32
    %scan3A_18 = arith.addi %scan3A_16, %scan3A_17 : i32
    %scan3A_19 = arith.constant 1 : i32
    scf.for %scan3A_42 = %scan3A_16 to %scan3A_18 step %scan3A_19  : i32 {
      %mul3A_43 = arith.constant 2 : i32
      %mul3A_44 = arith.muli %mul3A_43, %scan3A_42 : i32
      %mul3A_45 = arith.constant 2 : i32
      %mul3A_46 = arith.muli %mul3A_45, %scan3A_42 : i32
      %add3A_47 = arith.constant 1 : i32
      %add3A_48 = arith.addi %mul3A_46, %add3A_47 : i32
      %dma_wait3A_49 = arith.constant 0 : i32
      %dma_wait3A_50 = tpu.memref_slice %arg8[%mul3A_44, %dma_wait3A_49] : memref<80x128xi32, #tpu.memory_space<vmem>> -> memref<1x128xi32, #tpu.memory_space<vmem>>
      %dma_wait3A_51 = tpu.memref_squeeze %dma_wait3A_50 : memref<1x128xi32, #tpu.memory_space<vmem>> -> memref<128xi32, #tpu.memory_space<vmem>>
      %dma_wait3A_52 = arith.constant 0 : i32
      %dma_wait3A_53 = arith.constant 0 : i32
      %dma_wait3A_54 = tpu.memref_slice %arg2[%dma_wait3A_52, %dma_wait3A_53] : memref<10112x112xf32, #tpu.memory_space<hbm>> -> memref<10112x112xf32, #tpu.memory_space<hbm>>
      tpu.wait_indirect_dma semaphore(%arg13 : memref<!tpu.dma_semaphore, #tpu.memory_space<semaphore_mem>>) src(%dma_wait3A_54 : memref<10112x112xf32, #tpu.memory_space<hbm>>) dst(%arg10 : memref<128x112xf32, #tpu.memory_space<vmem>>)
      %dma_start3A_55 = arith.constant 0 : i32
      %dma_start3A_56 = tpu.memref_slice %arg9[%mul3A_44, %dma_start3A_55] : memref<80x128xi32, #tpu.memory_space<vmem>> -> memref<1x128xi32, #tpu.memory_space<vmem>>
      %dma_start3A_57 = tpu.memref_squeeze %dma_start3A_56 : memref<1x128xi32, #tpu.memory_space<vmem>> -> memref<128xi32, #tpu.memory_space<vmem>>
      %dma_start3A_58 = arith.constant 0 : i32
      %dma_start3A_59 = arith.constant 0 : i32
      %dma_start3A_60 = tpu.memref_slice %arg12[%dma_start3A_58, %dma_start3A_59] : memref<10112x112xf32, #tpu.memory_space<vmem_shared>> -> memref<10112x112xf32, #tpu.memory_space<vmem_shared>>
      tpu.enqueue_indirect_dma source(%arg10 : memref<128x112xf32, #tpu.memory_space<vmem>>) target(%dma_start3A_60 : memref<10112x112xf32, #tpu.memory_space<vmem_shared>>) offsets(%dma_start3A_57 : memref<128xi32, #tpu.memory_space<vmem>>) semaphore(%arg15 : memref<!tpu.dma_semaphore, #tpu.memory_space<semaphore_mem>>) {add = true}
      %dma_wait3A_61 = arith.constant 0 : i32
      %dma_wait3A_62 = tpu.memref_slice %arg8[%add3A_48, %dma_wait3A_61] : memref<80x128xi32, #tpu.memory_space<vmem>> -> memref<1x128xi32, #tpu.memory_space<vmem>>
      %dma_wait3A_63 = tpu.memref_squeeze %dma_wait3A_62 : memref<1x128xi32, #tpu.memory_space<vmem>> -> memref<128xi32, #tpu.memory_space<vmem>>
      %dma_wait3A_64 = arith.constant 0 : i32
      %dma_wait3A_65 = arith.constant 0 : i32
      %dma_wait3A_66 = tpu.memref_slice %arg2[%dma_wait3A_64, %dma_wait3A_65] : memref<10112x112xf32, #tpu.memory_space<hbm>> -> memref<10112x112xf32, #tpu.memory_space<hbm>>
      tpu.wait_indirect_dma semaphore(%arg14 : memref<!tpu.dma_semaphore, #tpu.memory_space<semaphore_mem>>) src(%dma_wait3A_66 : memref<10112x112xf32, #tpu.memory_space<hbm>>) dst(%arg11 : memref<128x112xf32, #tpu.memory_space<vmem>>)
      %dma_start3A_67 = arith.constant 0 : i32
      %dma_start3A_68 = tpu.memref_slice %arg9[%add3A_48, %dma_start3A_67] : memref<80x128xi32, #tpu.memory_space<vmem>> -> memref<1x128xi32, #tpu.memory_space<vmem>>
      %dma_start3A_69 = tpu.memref_squeeze %dma_start3A_68 : memref<1x128xi32, #tpu.memory_space<vmem>> -> memref<128xi32, #tpu.memory_space<vmem>>
      %dma_start3A_70 = arith.constant 0 : i32
      %dma_start3A_71 = arith.constant 0 : i32
      %dma_start3A_72 = tpu.memref_slice %arg12[%dma_start3A_70, %dma_start3A_71] : memref<10112x112xf32, #tpu.memory_space<vmem_shared>> -> memref<10112x112xf32, #tpu.memory_space<vmem_shared>>
      tpu.enqueue_indirect_dma source(%arg11 : memref<128x112xf32, #tpu.memory_space<vmem>>) target(%dma_start3A_72 : memref<10112x112xf32, #tpu.memory_space<vmem_shared>>) offsets(%dma_start3A_69 : memref<128xi32, #tpu.memory_space<vmem>>) semaphore(%arg16 : memref<!tpu.dma_semaphore, #tpu.memory_space<semaphore_mem>>) {add = true}
      %add3A_73 = arith.constant 2 : i32
      %add3A_74 = arith.addi %mul3A_44, %add3A_73 : i32
      %min3A = arith.constant 79 : i32
      %min3A_75 = arith.minsi %add3A_74, %min3A : i32
      %add3A_76 = arith.constant 2 : i32
      %add3A_77 = arith.addi %add3A_48, %add3A_76 : i32
      %min3A_78 = arith.constant 79 : i32
      %min3A_79 = arith.minsi %add3A_77, %min3A_78 : i32
      %dma_wait3A_80 = arith.constant 0 : i32
      %dma_wait3A_81 = tpu.memref_slice %arg9[%mul3A_44, %dma_wait3A_80] : memref<80x128xi32, #tpu.memory_space<vmem>> -> memref<1x128xi32, #tpu.memory_space<vmem>>
      %dma_wait3A_82 = tpu.memref_squeeze %dma_wait3A_81 : memref<1x128xi32, #tpu.memory_space<vmem>> -> memref<128xi32, #tpu.memory_space<vmem>>
      %dma_wait3A_83 = arith.constant 0 : i32
      %dma_wait3A_84 = arith.constant 0 : i32
      %dma_wait3A_85 = tpu.memref_slice %arg12[%dma_wait3A_83, %dma_wait3A_84] : memref<10112x112xf32, #tpu.memory_space<vmem_shared>> -> memref<10112x112xf32, #tpu.memory_space<vmem_shared>>
      tpu.wait_indirect_dma semaphore(%arg15 : memref<!tpu.dma_semaphore, #tpu.memory_space<semaphore_mem>>) src(%arg10 : memref<128x112xf32, #tpu.memory_space<vmem>>) dst(%dma_wait3A_85 : memref<10112x112xf32, #tpu.memory_space<vmem_shared>>)
      %dma_start3A_86 = arith.constant 0 : i32
      %dma_start3A_87 = tpu.memref_slice %arg8[%min3A_75, %dma_start3A_86] : memref<80x128xi32, #tpu.memory_space<vmem>> -> memref<1x128xi32, #tpu.memory_space<vmem>>
      %dma_start3A_88 = tpu.memref_squeeze %dma_start3A_87 : memref<1x128xi32, #tpu.memory_space<vmem>> -> memref<128xi32, #tpu.memory_space<vmem>>
      %dma_start3A_89 = arith.constant 0 : i32
      %dma_start3A_90 = arith.constant 0 : i32
      %dma_start3A_91 = tpu.memref_slice %arg2[%dma_start3A_89, %dma_start3A_90] : memref<10112x112xf32, #tpu.memory_space<hbm>> -> memref<10112x112xf32, #tpu.memory_space<hbm>>
      tpu.enqueue_indirect_dma source(%dma_start3A_91 : memref<10112x112xf32, #tpu.memory_space<hbm>>) target(%arg10 : memref<128x112xf32, #tpu.memory_space<vmem>>) offsets(%dma_start3A_88 : memref<128xi32, #tpu.memory_space<vmem>>) semaphore(%arg13 : memref<!tpu.dma_semaphore, #tpu.memory_space<semaphore_mem>>)
      %dma_wait3A_92 = arith.constant 0 : i32
      %dma_wait3A_93 = tpu.memref_slice %arg9[%add3A_48, %dma_wait3A_92] : memref<80x128xi32, #tpu.memory_space<vmem>> -> memref<1x128xi32, #tpu.memory_space<vmem>>
      %dma_wait3A_94 = tpu.memref_squeeze %dma_wait3A_93 : memref<1x128xi32, #tpu.memory_space<vmem>> -> memref<128xi32, #tpu.memory_space<vmem>>
      %dma_wait3A_95 = arith.constant 0 : i32
      %dma_wait3A_96 = arith.constant 0 : i32
      %dma_wait3A_97 = tpu.memref_slice %arg12[%dma_wait3A_95, %dma_wait3A_96] : memref<10112x112xf32, #tpu.memory_space<vmem_shared>> -> memref<10112x112xf32, #tpu.memory_space<vmem_shared>>
      tpu.wait_indirect_dma semaphore(%arg16 : memref<!tpu.dma_semaphore, #tpu.memory_space<semaphore_mem>>) src(%arg11 : memref<128x112xf32, #tpu.memory_space<vmem>>) dst(%dma_wait3A_97 : memref<10112x112xf32, #tpu.memory_space<vmem_shared>>)
      %dma_start3A_98 = arith.constant 0 : i32
      %dma_start3A_99 = tpu.memref_slice %arg8[%min3A_79, %dma_start3A_98] : memref<80x128xi32, #tpu.memory_space<vmem>> -> memref<1x128xi32, #tpu.memory_space<vmem>>
      %dma_start3A_100 = tpu.memref_squeeze %dma_start3A_99 : memref<1x128xi32, #tpu.memory_space<vmem>> -> memref<128xi32, #tpu.memory_space<vmem>>
      %dma_start3A_101 = arith.constant 0 : i32
      %dma_start3A_102 = arith.constant 0 : i32
      %dma_start3A_103 = tpu.memref_slice %arg2[%dma_start3A_101, %dma_start3A_102] : memref<10112x112xf32, #tpu.memory_space<hbm>> -> memref<10112x112xf32, #tpu.memory_space<hbm>>
      tpu.enqueue_indirect_dma source(%dma_start3A_103 : memref<10112x112xf32, #tpu.memory_space<hbm>>) target(%arg11 : memref<128x112xf32, #tpu.memory_space<vmem>>) offsets(%dma_start3A_100 : memref<128xi32, #tpu.memory_space<vmem>>) semaphore(%arg14 : memref<!tpu.dma_semaphore, #tpu.memory_space<semaphore_mem>>)
    }
    %scan3A_20 = arith.constant 40 : i32
    %dma_wait3A = arith.constant 0 : i32
    %dma_wait3A_21 = arith.constant 0 : i32
    %dma_wait3A_22 = tpu.memref_slice %arg8[%dma_wait3A, %dma_wait3A_21] : memref<80x128xi32, #tpu.memory_space<vmem>> -> memref<1x128xi32, #tpu.memory_space<vmem>>
    %dma_wait3A_23 = tpu.memref_squeeze %dma_wait3A_22 : memref<1x128xi32, #tpu.memory_space<vmem>> -> memref<128xi32, #tpu.memory_space<vmem>>
    %dma_wait3A_24 = arith.constant 0 : i32
    %dma_wait3A_25 = arith.constant 0 : i32
    %dma_wait3A_26 = tpu.memref_slice %arg2[%dma_wait3A_24, %dma_wait3A_25] : memref<10112x112xf32, #tpu.memory_space<hbm>> -> memref<10112x112xf32, #tpu.memory_space<hbm>>
    tpu.wait_indirect_dma semaphore(%arg13 : memref<!tpu.dma_semaphore, #tpu.memory_space<semaphore_mem>>) src(%dma_wait3A_26 : memref<10112x112xf32, #tpu.memory_space<hbm>>) dst(%arg10 : memref<128x112xf32, #tpu.memory_space<vmem>>)
    %dma_wait3A_27 = arith.constant 1 : i32
    %dma_wait3A_28 = arith.constant 0 : i32
    %dma_wait3A_29 = tpu.memref_slice %arg8[%dma_wait3A_27, %dma_wait3A_28] : memref<80x128xi32, #tpu.memory_space<vmem>> -> memref<1x128xi32, #tpu.memory_space<vmem>>
    %dma_wait3A_30 = tpu.memref_squeeze %dma_wait3A_29 : memref<1x128xi32, #tpu.memory_space<vmem>> -> memref<128xi32, #tpu.memory_space<vmem>>
    %dma_wait3A_31 = arith.constant 0 : i32
    %dma_wait3A_32 = arith.constant 0 : i32
    %dma_wait3A_33 = tpu.memref_slice %arg2[%dma_wait3A_31, %dma_wait3A_32] : memref<10112x112xf32, #tpu.memory_space<hbm>> -> memref<10112x112xf32, #tpu.memory_space<hbm>>
    tpu.wait_indirect_dma semaphore(%arg14 : memref<!tpu.dma_semaphore, #tpu.memory_space<semaphore_mem>>) src(%dma_wait3A_33 : memref<10112x112xf32, #tpu.memory_space<hbm>>) dst(%arg11 : memref<128x112xf32, #tpu.memory_space<vmem>>)
    %barrier3A_34 = arith.constant 0 : index
    tpu.barrier barrier_id(%barrier3A_34)
    %eq3A = arith.constant 0 : i32
    %eq3A_35 = arith.cmpi eq, %arg0, %eq3A : i32
    %convert_element_type3A = arith.extui %eq3A_35 : i1 to i32
    %cond3A = arith.constant 0 : i32
    %cond3A_36 = arith.cmpi ne, %convert_element_type3A, %cond3A : i32
    scf.if %cond3A_36 {
      "tpu.region"() ({
        %run_scoped3A = tpu.sem_alloc : memref<!tpu.dma_semaphore, #tpu.memory_space<semaphore_mem>>
        %dma_start3A_42 = arith.constant 0 : i32
        %dma_start3A_43 = tpu.memref_slice %arg6[%mul3A_2, %dma_start3A_42] : memref<10112x112xf32, #tpu.memory_space<hbm>> -> memref<632x112xf32, #tpu.memory_space<hbm>>
        %dma_start3A_44 = arith.constant 0 : i32
        %dma_start3A_45 = tpu.memref_slice %arg12[%mul3A_2, %dma_start3A_44] : memref<10112x112xf32, #tpu.memory_space<vmem_shared>> -> memref<632x112xf32, #tpu.memory_space<vmem_shared>>
        tpu.enqueue_dma source(%dma_start3A_45 : memref<632x112xf32, #tpu.memory_space<vmem_shared>>) target(%dma_start3A_43 : memref<632x112xf32, #tpu.memory_space<hbm>>) target_semaphore(%run_scoped3A : memref<!tpu.dma_semaphore, #tpu.memory_space<semaphore_mem>>)
        %dma_wait3A_46 = arith.constant 0 : i32
        %dma_wait3A_47 = tpu.memref_slice %arg6[%mul3A_2, %dma_wait3A_46] : memref<10112x112xf32, #tpu.memory_space<hbm>> -> memref<632x112xf32, #tpu.memory_space<hbm>>
        %dma_wait3A_48 = arith.constant 0 : i32
        %dma_wait3A_49 = tpu.memref_slice %arg12[%mul3A_2, %dma_wait3A_48] : memref<10112x112xf32, #tpu.memory_space<vmem_shared>> -> memref<632x112xf32, #tpu.memory_space<vmem_shared>>
        tpu.wait_dma2 semaphore(%run_scoped3A : memref<!tpu.dma_semaphore, #tpu.memory_space<semaphore_mem>>) src(%dma_wait3A_49 : memref<632x112xf32, #tpu.memory_space<vmem_shared>>) dst(%dma_wait3A_47 : memref<632x112xf32, #tpu.memory_space<hbm>>)
        tpu.yield
      }) : () -> ()
    } else {
    }
    %eq3A_37 = arith.constant 1 : i32
    %eq3A_38 = arith.cmpi eq, %arg0, %eq3A_37 : i32
    %convert_element_type3A_39 = arith.extui %eq3A_38 : i1 to i32
    %cond3A_40 = arith.constant 0 : i32
    %cond3A_41 = arith.cmpi ne, %convert_element_type3A_39, %cond3A_40 : i32
    scf.if %cond3A_41 {
      "tpu.region"() ({
        %run_scoped3A = tpu.sem_alloc : memref<!tpu.dma_semaphore, #tpu.memory_space<semaphore_mem>>
        %dma_start3A_42 = arith.constant 0 : i32
        %dma_start3A_43 = tpu.memref_slice %arg7[%mul3A_2, %dma_start3A_42] : memref<10112x112xf32, #tpu.memory_space<hbm>> -> memref<632x112xf32, #tpu.memory_space<hbm>>
        %dma_start3A_44 = arith.constant 0 : i32
        %dma_start3A_45 = tpu.memref_slice %arg12[%mul3A_2, %dma_start3A_44] : memref<10112x112xf32, #tpu.memory_space<vmem_shared>> -> memref<632x112xf32, #tpu.memory_space<vmem_shared>>
        tpu.enqueue_dma source(%dma_start3A_45 : memref<632x112xf32, #tpu.memory_space<vmem_shared>>) target(%dma_start3A_43 : memref<632x112xf32, #tpu.memory_space<hbm>>) target_semaphore(%run_scoped3A : memref<!tpu.dma_semaphore, #tpu.memory_space<semaphore_mem>>)
        %dma_wait3A_46 = arith.constant 0 : i32
        %dma_wait3A_47 = tpu.memref_slice %arg7[%mul3A_2, %dma_wait3A_46] : memref<10112x112xf32, #tpu.memory_space<hbm>> -> memref<632x112xf32, #tpu.memory_space<hbm>>
        %dma_wait3A_48 = arith.constant 0 : i32
        %dma_wait3A_49 = tpu.memref_slice %arg12[%mul3A_2, %dma_wait3A_48] : memref<10112x112xf32, #tpu.memory_space<vmem_shared>> -> memref<632x112xf32, #tpu.memory_space<vmem_shared>>
        tpu.wait_dma2 semaphore(%run_scoped3A : memref<!tpu.dma_semaphore, #tpu.memory_space<semaphore_mem>>) src(%dma_wait3A_49 : memref<632x112xf32, #tpu.memory_space<vmem_shared>>) dst(%dma_wait3A_47 : memref<632x112xf32, #tpu.memory_space<hbm>>)
        tpu.yield
      }) : () -> ()
    } else {
    }
    return
  }
}

module attributes {stable_mosaic.version = 14 : i64} {
  func.func @_mm_body(%arg0: memref<10112x128xf32, #tpu.memory_space<vmem>>, %arg1: memref<128x112xf32, #tpu.memory_space<vmem>>, %arg2: memref<1x112xf32, #tpu.memory_space<vmem>>, %arg3: memref<10112x112xf32, #tpu.memory_space<vmem>>) attributes {dimension_semantics = [], scalar_prefetch = 0 : i64, scratch_operands = 0 : i64, tpu.core_type = #tpu.core_type<tc>} {
    %iota3A = tpu.iota {dimensions = array<i32: 0>} : vector<10112x1xi32>
    %lt3A = arith.constant 10000 : i32
    %lt3A_0 = vector.broadcast %lt3A : i32 to vector<10112x1xi32>
    %lt3A_1 = arith.cmpi slt, %iota3A, %lt3A_0 : vector<10112x1xi32>
    %convert_element_type3A = arith.extui %lt3A_1 : vector<10112x1xi1> to vector<10112x1xi32>
    %convert_element_type3A_2 = arith.sitofp %convert_element_type3A : vector<10112x1xi32> to vector<10112x1xf32>
    %get3A = arith.constant 0 : index
    %get3A_3 = arith.constant 0 : index
    %get3A_4 = vector.load %arg0[%get3A, %get3A_3] : memref<10112x128xf32, #tpu.memory_space<vmem>>, vector<10112x128xf32>
    %get3A_5 = arith.constant 0 : index
    %get3A_6 = arith.constant 0 : index
    %get3A_7 = vector.load %arg1[%get3A_5, %get3A_6] : memref<128x112xf32, #tpu.memory_space<vmem>>, vector<128x112xf32>
    %dot_general3A = arith.constant dense<0.000000e+00> : vector<10112x112xf32>
    %dot_general3A_8 = tpu.matmul %get3A_4, %get3A_7, %dot_general3A {dimension_numbers = #tpu.dot_dimension_numbers<[1], [0], [0], [1], [0, 0, 1, 1], [], []>, transpose_lhs_hint = false} : vector<10112x128xf32>, vector<128x112xf32>, vector<10112x112xf32> -> vector<10112x112xf32>
    %get3A_9 = arith.constant 0 : index
    %get3A_10 = arith.constant 0 : index
    %get3A_11 = vector.load %arg2[%get3A_9, %get3A_10] : memref<1x112xf32, #tpu.memory_space<vmem>>, vector<1x112xf32>
    %mul3A = vector.broadcast %convert_element_type3A_2 : vector<10112x1xf32> to vector<10112x112xf32>
    %mul3A_12 = vector.broadcast %get3A_11 : vector<1x112xf32> to vector<10112x112xf32>
    %mul3A_13 = arith.mulf %mul3A, %mul3A_12 : vector<10112x112xf32>
    %add3A = arith.addf %dot_general3A_8, %mul3A_13 : vector<10112x112xf32>
    %swap3A = arith.constant 0 : index
    %swap3A_14 = arith.constant 0 : index
    %swap3A_15 = vector.load %arg3[%swap3A, %swap3A_14] : memref<10112x112xf32, #tpu.memory_space<vmem>>, vector<10112x112xf32>
    tpu.vector_store %arg3[%swap3A, %swap3A_14], %add3A {strides = array<i32>} : memref<10112x112xf32, #tpu.memory_space<vmem>>, vector<10112x112xf32>,
    return
  }
}

module attributes {stable_mosaic.version = 14 : i64} {
  func.func @_layer2_body(%arg0: memref<10112x112xf32, #tpu.memory_space<vmem>>, %arg1: memref<10112x112xf32, #tpu.memory_space<vmem>>, %arg2: memref<100x32xf32, #tpu.memory_space<vmem>>, %arg3: memref<1x100xf32, #tpu.memory_space<vmem>>, %arg4: memref<1x32xf32, #tpu.memory_space<vmem>>, %arg5: memref<10112x32xf32, #tpu.memory_space<vmem>>) attributes {dimension_semantics = [], scalar_prefetch = 0 : i64, scratch_operands = 0 : i64, tpu.core_type = #tpu.core_type<tc>} {
    %get3A = arith.constant 0 : index
    %get3A_0 = arith.constant 0 : index
    %get3A_1 = vector.load %arg0[%get3A, %get3A_0] : memref<10112x112xf32, #tpu.memory_space<vmem>>, vector<10112x112xf32>
    %get3A_2 = arith.constant 0 : index
    %get3A_3 = arith.constant 0 : index
    %get3A_4 = vector.load %arg1[%get3A_2, %get3A_3] : memref<10112x112xf32, #tpu.memory_space<vmem>>, vector<10112x112xf32>
    %add3A = arith.addf %get3A_1, %get3A_4 : vector<10112x112xf32>
    %slice3A = vector.extract_strided_slice %add3A {offsets = [0, 100], sizes = [10112, 1], strides = [1, 1]} : vector<10112x112xf32> to vector<10112x1xf32>
    %slice3A_5 = vector.extract_strided_slice %add3A {offsets = [0, 0], sizes = [10112, 100], strides = [1, 1]} : vector<10112x112xf32> to vector<10112x100xf32>
    %max3A = arith.constant 1.000000e+00 : f32
    %max3A_6 = vector.broadcast %max3A : f32 to vector<10112x1xf32>
    %max3A_7 = arith.maximumf %slice3A, %max3A_6 : vector<10112x1xf32>
    %div3A = vector.broadcast %max3A_7 : vector<10112x1xf32> to vector<10112x100xf32>
    %div3A_8 = arith.divf %slice3A_5, %div3A : vector<10112x100xf32>
    %get3A_9 = arith.constant 0 : index
    %get3A_10 = arith.constant 0 : index
    %get3A_11 = vector.load %arg3[%get3A_9, %get3A_10] : memref<1x100xf32, #tpu.memory_space<vmem>>, vector<1x100xf32>
    %add3A_12 = vector.broadcast %get3A_11 : vector<1x100xf32> to vector<10112x100xf32>
    %add3A_13 = arith.addf %div3A_8, %add3A_12 : vector<10112x100xf32>
    %max3A_14 = arith.constant 0.000000e+00 : f32
    %max3A_15 = vector.broadcast %max3A_14 : f32 to vector<10112x100xf32>
    %max3A_16 = arith.maximumf %add3A_13, %max3A_15 : vector<10112x100xf32>
    %iota3A = tpu.iota {dimensions = array<i32: 0>} : vector<10112x1xi32>
    %lt3A = arith.constant 10000 : i32
    %lt3A_17 = vector.broadcast %lt3A : i32 to vector<10112x1xi32>
    %lt3A_18 = arith.cmpi slt, %iota3A, %lt3A_17 : vector<10112x1xi32>
    %convert_element_type3A = arith.extui %lt3A_18 : vector<10112x1xi1> to vector<10112x1xi32>
    %convert_element_type3A_19 = arith.sitofp %convert_element_type3A : vector<10112x1xi32> to vector<10112x1xf32>
    %get3A_20 = arith.constant 0 : index
    %get3A_21 = arith.constant 0 : index
    %get3A_22 = vector.load %arg2[%get3A_20, %get3A_21] : memref<100x32xf32, #tpu.memory_space<vmem>>, vector<100x32xf32>
    %dot_general3A = arith.constant dense<0.000000e+00> : vector<10112x32xf32>
    %dot_general3A_23 = tpu.matmul %max3A_16, %get3A_22, %dot_general3A {dimension_numbers = #tpu.dot_dimension_numbers<[1], [0], [0], [1], [0, 0, 1, 1], [], []>, transpose_lhs_hint = false} : vector<10112x100xf32>, vector<100x32xf32>, vector<10112x32xf32> -> vector<10112x32xf32>
    %get3A_24 = arith.constant 0 : index
    %get3A_25 = arith.constant 0 : index
    %get3A_26 = vector.load %arg4[%get3A_24, %get3A_25] : memref<1x32xf32, #tpu.memory_space<vmem>>, vector<1x32xf32>
    %add3A_27 = vector.broadcast %get3A_26 : vector<1x32xf32> to vector<10112x32xf32>
    %add3A_28 = arith.addf %dot_general3A_23, %add3A_27 : vector<10112x32xf32>
    %mul3A = vector.broadcast %convert_element_type3A_19 : vector<10112x1xf32> to vector<10112x32xf32>
    %mul3A_29 = arith.mulf %mul3A, %add3A_28 : vector<10112x32xf32>
    %swap3A = arith.constant 0 : index
    %swap3A_30 = arith.constant 0 : index
    %swap3A_31 = vector.load %arg5[%swap3A, %swap3A_30] : memref<10112x32xf32, #tpu.memory_space<vmem>>, vector<10112x32xf32>
    tpu.vector_store %arg5[%swap3A, %swap3A_30], %mul3A_29 {strides = array<i32>} : memref<10112x32xf32, #tpu.memory_space<vmem>>, vector<10112x32xf32>,
    return
  }
}

module attributes {stable_mosaic.version = 14 : i64} {
  func.func @_tail_body(%arg0: memref<10112x32xf32, #tpu.memory_space<vmem>>, %arg1: memref<10112x32xf32, #tpu.memory_space<vmem>>, %arg2: memref<1x10112xi32, #tpu.memory_space<vmem>>, %arg3: memref<128x200xf32, #tpu.memory_space<vmem>>, %arg4: memref<1x20xf32, #tpu.memory_space<vmem>>, %arg5: memref<20x200xf32, #tpu.memory_space<vmem>>, %arg6: memref<200x200xf32, #tpu.memory_space<vmem>>, %arg7: memref<1x200xf32, #tpu.memory_space<vmem>>, %arg8: memref<21x200x128xf32, #tpu.memory_space<vmem>>, %arg9: memref<21x128xf32, #tpu.memory_space<vmem>>, %arg10: memref<1x128xf32, #tpu.memory_space<vmem>>, %arg11: memref<128x32xf32, #tpu.memory_space<vmem>>, %arg12: memref<1x32xf32, #tpu.memory_space<vmem>>, %arg13: memref<32x1xf32, #tpu.memory_space<vmem>>, %arg14: memref<1x1xf32, #tpu.memory_space<vmem>>, %arg15: memref<1x128xf32, #tpu.memory_space<vmem>>, %arg16: memref<1x128xf32, #tpu.memory_space<vmem>>, %arg17: memref<1x32xf32, #tpu.memory_space<vmem>>, %arg18: memref<1x32xf32, #tpu.memory_space<vmem>>, %arg19: memref<128x1xf32, #tpu.memory_space<vmem>>) attributes {dimension_semantics = [], scalar_prefetch = 0 : i64, scratch_operands = 0 : i64, tpu.core_type = #tpu.core_type<tc>} {
    %get3A = arith.constant 0 : index
    %get3A_0 = arith.constant 0 : index
    %get3A_1 = vector.load %arg0[%get3A, %get3A_0] : memref<10112x32xf32, #tpu.memory_space<vmem>>, vector<10112x32xf32>
    %get3A_2 = arith.constant 0 : index
    %get3A_3 = arith.constant 0 : index
    %get3A_4 = vector.load %arg1[%get3A_2, %get3A_3] : memref<10112x32xf32, #tpu.memory_space<vmem>>, vector<10112x32xf32>
    %add3A = arith.addf %get3A_1, %get3A_4 : vector<10112x32xf32>
    %slice3A = vector.extract_strided_slice %add3A {offsets = [0, 20], sizes = [10112, 1], strides = [1, 1]} : vector<10112x32xf32> to vector<10112x1xf32>
    %slice3A_5 = vector.extract_strided_slice %add3A {offsets = [0, 0], sizes = [10112, 20], strides = [1, 1]} : vector<10112x32xf32> to vector<10112x20xf32>
    %max3A = arith.constant 1.000000e+00 : f32
    %max3A_6 = vector.broadcast %max3A : f32 to vector<10112x1xf32>
    %max3A_7 = arith.maximumf %slice3A, %max3A_6 : vector<10112x1xf32>
    %div3A = vector.broadcast %max3A_7 : vector<10112x1xf32> to vector<10112x20xf32>
    %div3A_8 = arith.divf %slice3A_5, %div3A : vector<10112x20xf32>
    %get3A_9 = arith.constant 0 : index
    %get3A_10 = arith.constant 0 : index
    %get3A_11 = vector.load %arg4[%get3A_9, %get3A_10] : memref<1x20xf32, #tpu.memory_space<vmem>>, vector<1x20xf32>
    %add3A_12 = vector.broadcast %get3A_11 : vector<1x20xf32> to vector<10112x20xf32>
    %add3A_13 = arith.addf %div3A_8, %add3A_12 : vector<10112x20xf32>
    %max3A_14 = arith.constant 0.000000e+00 : f32
    %max3A_15 = vector.broadcast %max3A_14 : f32 to vector<10112x20xf32>
    %max3A_16 = arith.maximumf %add3A_13, %max3A_15 : vector<10112x20xf32>
    %get3A_17 = arith.constant 0 : index
    %get3A_18 = arith.constant 0 : index
    %get3A_19 = vector.load %arg2[%get3A_17, %get3A_18] : memref<1x10112xi32, #tpu.memory_space<vmem>>, vector<1x10112xi32>
    %iota3A = tpu.iota {dimensions = array<i32: 0>} : vector<128x10112xi32>
    %eq3A = vector.broadcast %get3A_19 : vector<1x10112xi32> to vector<128x10112xi32>
    %eq3A_20 = arith.cmpi eq, %iota3A, %eq3A : vector<128x10112xi32>
    %convert_element_type3A = arith.extui %eq3A_20 : vector<128x10112xi1> to vector<128x10112xi32>
    %convert_element_type3A_21 = arith.sitofp %convert_element_type3A : vector<128x10112xi32> to vector<128x10112xf32>
    %dot_general3A = arith.constant dense<0.000000e+00> : vector<128x20xf32>
    %dot_general3A_22 = tpu.matmul %convert_element_type3A_21, %max3A_16, %dot_general3A {dimension_numbers = #tpu.dot_dimension_numbers<[1], [0], [0], [1], [0, 0, 1, 1], [], []>, transpose_lhs_hint = false} : vector<128x10112xf32>, vector<10112x20xf32>, vector<128x20xf32> -> vector<128x20xf32>
    %reduce_sum3A = arith.constant dense<0.000000e+00> : vector<128xf32>
    %reduce_sum3A_23 = vector.multi_reduction <add>, %convert_element_type3A_21, %reduce_sum3A [1] : vector<128x10112xf32> to vector<128xf32>
    %broadcast_in_dim3A = vector.shape_cast %reduce_sum3A_23 : vector<128xf32> to vector<128x1xf32>
    %max3A_24 = arith.constant 1.000000e+00 : f32
    %max3A_25 = vector.broadcast %max3A_24 : f32 to vector<128x1xf32>
    %max3A_26 = arith.maximumf %broadcast_in_dim3A, %max3A_25 : vector<128x1xf32>
    %div3A_27 = vector.broadcast %max3A_26 : vector<128x1xf32> to vector<128x20xf32>
    %div3A_28 = arith.divf %dot_general3A_22, %div3A_27 : vector<128x20xf32>
    %get3A_29 = arith.constant 0 : index
    %get3A_30 = arith.constant 0 : index
    %get3A_31 = vector.load %arg3[%get3A_29, %get3A_30] : memref<128x200xf32, #tpu.memory_space<vmem>>, vector<128x200xf32>
    %get3A_32 = arith.constant 0 : index
    %get3A_33 = arith.constant 0 : index
    %get3A_34 = vector.load %arg5[%get3A_32, %get3A_33] : memref<20x200xf32, #tpu.memory_space<vmem>>, vector<20x200xf32>
    %dot_general3A_35 = arith.constant dense<0.000000e+00> : vector<128x200xf32>
    %dot_general3A_36 = tpu.matmul %div3A_28, %get3A_34, %dot_general3A_35 {dimension_numbers = #tpu.dot_dimension_numbers<[1], [0], [0], [1], [0, 0, 1, 1], [], []>, transpose_lhs_hint = false} : vector<128x20xf32>, vector<20x200xf32>, vector<128x200xf32> -> vector<128x200xf32>
    %get3A_37 = arith.constant 0 : index
    %get3A_38 = arith.constant 0 : index
    %get3A_39 = vector.load %arg6[%get3A_37, %get3A_38] : memref<200x200xf32, #tpu.memory_space<vmem>>, vector<200x200xf32>
    %dot_general3A_40 = arith.constant dense<0.000000e+00> : vector<128x200xf32>
    %dot_general3A_41 = tpu.matmul %get3A_31, %get3A_39, %dot_general3A_40 {dimension_numbers = #tpu.dot_dimension_numbers<[1], [0], [0], [1], [0, 0, 1, 1], [], []>, transpose_lhs_hint = false} : vector<128x200xf32>, vector<200x200xf32>, vector<128x200xf32> -> vector<128x200xf32>
    %add3A_42 = arith.addf %dot_general3A_36, %dot_general3A_41 : vector<128x200xf32>
    %get3A_43 = arith.constant 0 : index
    %get3A_44 = arith.constant 0 : index
    %get3A_45 = vector.load %arg7[%get3A_43, %get3A_44] : memref<1x200xf32, #tpu.memory_space<vmem>>, vector<1x200xf32>
    %add3A_46 = vector.broadcast %get3A_45 : vector<1x200xf32> to vector<128x200xf32>
    %add3A_47 = arith.addf %add3A_42, %add3A_46 : vector<128x200xf32>
    %neg3A = arith.constant 0.000000e+00 : f32
    %neg3A_48 = vector.broadcast %neg3A : f32 to vector<128x200xf32>
    %neg3A_49 = arith.subf %neg3A_48, %add3A_47 : vector<128x200xf32>
    %exp3A = math.exp %neg3A_49 : vector<128x200xf32>
    %add3A_50 = arith.constant 1.000000e+00 : f32
    %add3A_51 = vector.broadcast %add3A_50 : f32 to vector<128x200xf32>
    %add3A_52 = arith.addf %add3A_51, %exp3A : vector<128x200xf32>
    %div3A_53 = arith.constant 1.000000e+00 : f32
    %div3A_54 = vector.broadcast %div3A_53 : f32 to vector<128x200xf32>
    %div3A_55 = arith.divf %div3A_54, %add3A_52 : vector<128x200xf32>
    %mul3A = arith.mulf %div3A_55, %get3A_31 : vector<128x200xf32>
    %get3A_56 = arith.constant 20 : index
    %get3A_57 = arith.constant 0 : index
    %get3A_58 = arith.constant 0 : index
    %get3A_59 = vector.load %arg8[%get3A_56, %get3A_57, %get3A_58] : memref<21x200x128xf32, #tpu.memory_space<vmem>>, vector<1x200x128xf32>
    %get3A_60 = vector.shape_cast %get3A_59 : vector<1x200x128xf32> to vector<200x128xf32>
    %dot_general3A_61 = arith.constant dense<0.000000e+00> : vector<128x128xf32>
    %dot_general3A_62 = tpu.matmul %mul3A, %get3A_60, %dot_general3A_61 {dimension_numbers = #tpu.dot_dimension_numbers<[1], [0], [0], [1], [0, 0, 1, 1], [], []>, transpose_lhs_hint = false} : vector<128x200xf32>, vector<200x128xf32>, vector<128x128xf32> -> vector<128x128xf32>
    %get3A_63 = arith.constant 20 : index
    %get3A_64 = arith.constant 0 : index
    %get3A_65 = vector.load %arg9[%get3A_63, %get3A_64] : memref<21x128xf32, #tpu.memory_space<vmem>>, vector<1x128xf32>
    %add3A_66 = vector.broadcast %get3A_65 : vector<1x128xf32> to vector<128x128xf32>
    %add3A_67 = arith.addf %dot_general3A_62, %add3A_66 : vector<128x128xf32>
    %get3A_68 = arith.constant 0 : index
    %get3A_69 = arith.constant 0 : index
    %get3A_70 = vector.load %arg10[%get3A_68, %get3A_69] : memref<1x128xf32, #tpu.memory_space<vmem>>, vector<1x128xf32>
    %add3A_71 = vector.broadcast %get3A_70 : vector<1x128xf32> to vector<128x128xf32>
    %add3A_72 = arith.addf %add3A_67, %add3A_71 : vector<128x128xf32>
    %slice3A_73 = vector.extract_strided_slice %div3A_28 {offsets = [0, 0], sizes = [128, 1], strides = [1, 1]} : vector<128x20xf32> to vector<128x1xf32>
    %get3A_74 = arith.constant 0 : index
    %get3A_75 = arith.constant 0 : index
    %get3A_76 = arith.constant 0 : index
    %get3A_77 = vector.load %arg8[%get3A_74, %get3A_75, %get3A_76] : memref<21x200x128xf32, #tpu.memory_space<vmem>>, vector<1x200x128xf32>
    %get3A_78 = vector.shape_cast %get3A_77 : vector<1x200x128xf32> to vector<200x128xf32>
    %dot_general3A_79 = arith.constant dense<0.000000e+00> : vector<128x128xf32>
    %dot_general3A_80 = tpu.matmul %mul3A, %get3A_78, %dot_general3A_79 {dimension_numbers = #tpu.dot_dimension_numbers<[1], [0], [0], [1], [0, 0, 1, 1], [], []>, transpose_lhs_hint = false} : vector<128x200xf32>, vector<200x128xf32>, vector<128x128xf32> -> vector<128x128xf32>
    %get3A_81 = arith.constant 0 : index
    %get3A_82 = arith.constant 0 : index
    %get3A_83 = vector.load %arg9[%get3A_81, %get3A_82] : memref<21x128xf32, #tpu.memory_space<vmem>>, vector<1x128xf32>
    %add3A_84 = vector.broadcast %get3A_83 : vector<1x128xf32> to vector<128x128xf32>
    %add3A_85 = arith.addf %dot_general3A_80, %add3A_84 : vector<128x128xf32>
    %mul3A_86 = vector.broadcast %slice3A_73 : vector<128x1xf32> to vector<128x128xf32>
    %mul3A_87 = arith.mulf %mul3A_86, %add3A_85 : vector<128x128xf32>
    %add3A_88 = arith.addf %add3A_72, %mul3A_87 : vector<128x128xf32>
    %slice3A_89 = vector.extract_strided_slice %div3A_28 {offsets = [0, 1], sizes = [128, 1], strides = [1, 1]} : vector<128x20xf32> to vector<128x1xf32>
    %get3A_90 = arith.constant 1 : index
    %get3A_91 = arith.constant 0 : index
    %get3A_92 = arith.constant 0 : index
    %get3A_93 = vector.load %arg8[%get3A_90, %get3A_91, %get3A_92] : memref<21x200x128xf32, #tpu.memory_space<vmem>>, vector<1x200x128xf32>
    %get3A_94 = vector.shape_cast %get3A_93 : vector<1x200x128xf32> to vector<200x128xf32>
    %dot_general3A_95 = arith.constant dense<0.000000e+00> : vector<128x128xf32>
    %dot_general3A_96 = tpu.matmul %mul3A, %get3A_94, %dot_general3A_95 {dimension_numbers = #tpu.dot_dimension_numbers<[1], [0], [0], [1], [0, 0, 1, 1], [], []>, transpose_lhs_hint = false} : vector<128x200xf32>, vector<200x128xf32>, vector<128x128xf32> -> vector<128x128xf32>
    %get3A_97 = arith.constant 1 : index
    %get3A_98 = arith.constant 0 : index
    %get3A_99 = vector.load %arg9[%get3A_97, %get3A_98] : memref<21x128xf32, #tpu.memory_space<vmem>>, vector<1x128xf32>
    %add3A_100 = vector.broadcast %get3A_99 : vector<1x128xf32> to vector<128x128xf32>
    %add3A_101 = arith.addf %dot_general3A_96, %add3A_100 : vector<128x128xf32>
    %mul3A_102 = vector.broadcast %slice3A_89 : vector<128x1xf32> to vector<128x128xf32>
    %mul3A_103 = arith.mulf %mul3A_102, %add3A_101 : vector<128x128xf32>
    %add3A_104 = arith.addf %add3A_88, %mul3A_103 : vector<128x128xf32>
    %slice3A_105 = vector.extract_strided_slice %div3A_28 {offsets = [0, 2], sizes = [128, 1], strides = [1, 1]} : vector<128x20xf32> to vector<128x1xf32>
    %get3A_106 = arith.constant 2 : index
    %get3A_107 = arith.constant 0 : index
    %get3A_108 = arith.constant 0 : index
    %get3A_109 = vector.load %arg8[%get3A_106, %get3A_107, %get3A_108] : memref<21x200x128xf32, #tpu.memory_space<vmem>>, vector<1x200x128xf32>
    %get3A_110 = vector.shape_cast %get3A_109 : vector<1x200x128xf32> to vector<200x128xf32>
    %dot_general3A_111 = arith.constant dense<0.000000e+00> : vector<128x128xf32>
    %dot_general3A_112 = tpu.matmul %mul3A, %get3A_110, %dot_general3A_111 {dimension_numbers = #tpu.dot_dimension_numbers<[1], [0], [0], [1], [0, 0, 1, 1], [], []>, transpose_lhs_hint = false} : vector<128x200xf32>, vector<200x128xf32>, vector<128x128xf32> -> vector<128x128xf32>
    %get3A_113 = arith.constant 2 : index
    %get3A_114 = arith.constant 0 : index
    %get3A_115 = vector.load %arg9[%get3A_113, %get3A_114] : memref<21x128xf32, #tpu.memory_space<vmem>>, vector<1x128xf32>
    %add3A_116 = vector.broadcast %get3A_115 : vector<1x128xf32> to vector<128x128xf32>
    %add3A_117 = arith.addf %dot_general3A_112, %add3A_116 : vector<128x128xf32>
    %mul3A_118 = vector.broadcast %slice3A_105 : vector<128x1xf32> to vector<128x128xf32>
    %mul3A_119 = arith.mulf %mul3A_118, %add3A_117 : vector<128x128xf32>
    %add3A_120 = arith.addf %add3A_104, %mul3A_119 : vector<128x128xf32>
    %slice3A_121 = vector.extract_strided_slice %div3A_28 {offsets = [0, 3], sizes = [128, 1], strides = [1, 1]} : vector<128x20xf32> to vector<128x1xf32>
    %get3A_122 = arith.constant 3 : index
    %get3A_123 = arith.constant 0 : index
    %get3A_124 = arith.constant 0 : index
    %get3A_125 = vector.load %arg8[%get3A_122, %get3A_123, %get3A_124] : memref<21x200x128xf32, #tpu.memory_space<vmem>>, vector<1x200x128xf32>
    %get3A_126 = vector.shape_cast %get3A_125 : vector<1x200x128xf32> to vector<200x128xf32>
    %dot_general3A_127 = arith.constant dense<0.000000e+00> : vector<128x128xf32>
    %dot_general3A_128 = tpu.matmul %mul3A, %get3A_126, %dot_general3A_127 {dimension_numbers = #tpu.dot_dimension_numbers<[1], [0], [0], [1], [0, 0, 1, 1], [], []>, transpose_lhs_hint = false} : vector<128x200xf32>, vector<200x128xf32>, vector<128x128xf32> -> vector<128x128xf32>
    %get3A_129 = arith.constant 3 : index
    %get3A_130 = arith.constant 0 : index
    %get3A_131 = vector.load %arg9[%get3A_129, %get3A_130] : memref<21x128xf32, #tpu.memory_space<vmem>>, vector<1x128xf32>
    %add3A_132 = vector.broadcast %get3A_131 : vector<1x128xf32> to vector<128x128xf32>
    %add3A_133 = arith.addf %dot_general3A_128, %add3A_132 : vector<128x128xf32>
    %mul3A_134 = vector.broadcast %slice3A_121 : vector<128x1xf32> to vector<128x128xf32>
    %mul3A_135 = arith.mulf %mul3A_134, %add3A_133 : vector<128x128xf32>
    %add3A_136 = arith.addf %add3A_120, %mul3A_135 : vector<128x128xf32>
    %slice3A_137 = vector.extract_strided_slice %div3A_28 {offsets = [0, 4], sizes = [128, 1], strides = [1, 1]} : vector<128x20xf32> to vector<128x1xf32>
    %get3A_138 = arith.constant 4 : index
    %get3A_139 = arith.constant 0 : index
    %get3A_140 = arith.constant 0 : index
    %get3A_141 = vector.load %arg8[%get3A_138, %get3A_139, %get3A_140] : memref<21x200x128xf32, #tpu.memory_space<vmem>>, vector<1x200x128xf32>
    %get3A_142 = vector.shape_cast %get3A_141 : vector<1x200x128xf32> to vector<200x128xf32>
    %dot_general3A_143 = arith.constant dense<0.000000e+00> : vector<128x128xf32>
    %dot_general3A_144 = tpu.matmul %mul3A, %get3A_142, %dot_general3A_143 {dimension_numbers = #tpu.dot_dimension_numbers<[1], [0], [0], [1], [0, 0, 1, 1], [], []>, transpose_lhs_hint = false} : vector<128x200xf32>, vector<200x128xf32>, vector<128x128xf32> -> vector<128x128xf32>
    %get3A_145 = arith.constant 4 : index
    %get3A_146 = arith.constant 0 : index
    %get3A_147 = vector.load %arg9[%get3A_145, %get3A_146] : memref<21x128xf32, #tpu.memory_space<vmem>>, vector<1x128xf32>
    %add3A_148 = vector.broadcast %get3A_147 : vector<1x128xf32> to vector<128x128xf32>
    %add3A_149 = arith.addf %dot_general3A_144, %add3A_148 : vector<128x128xf32>
    %mul3A_150 = vector.broadcast %slice3A_137 : vector<128x1xf32> to vector<128x128xf32>
    %mul3A_151 = arith.mulf %mul3A_150, %add3A_149 : vector<128x128xf32>
    %add3A_152 = arith.addf %add3A_136, %mul3A_151 : vector<128x128xf32>
    %slice3A_153 = vector.extract_strided_slice %div3A_28 {offsets = [0, 5], sizes = [128, 1], strides = [1, 1]} : vector<128x20xf32> to vector<128x1xf32>
    %get3A_154 = arith.constant 5 : index
    %get3A_155 = arith.constant 0 : index
    %get3A_156 = arith.constant 0 : index
    %get3A_157 = vector.load %arg8[%get3A_154, %get3A_155, %get3A_156] : memref<21x200x128xf32, #tpu.memory_space<vmem>>, vector<1x200x128xf32>
    %get3A_158 = vector.shape_cast %get3A_157 : vector<1x200x128xf32> to vector<200x128xf32>
    %dot_general3A_159 = arith.constant dense<0.000000e+00> : vector<128x128xf32>
    %dot_general3A_160 = tpu.matmul %mul3A, %get3A_158, %dot_general3A_159 {dimension_numbers = #tpu.dot_dimension_numbers<[1], [0], [0], [1], [0, 0, 1, 1], [], []>, transpose_lhs_hint = false} : vector<128x200xf32>, vector<200x128xf32>, vector<128x128xf32> -> vector<128x128xf32>
    %get3A_161 = arith.constant 5 : index
    %get3A_162 = arith.constant 0 : index
    %get3A_163 = vector.load %arg9[%get3A_161, %get3A_162] : memref<21x128xf32, #tpu.memory_space<vmem>>, vector<1x128xf32>
    %add3A_164 = vector.broadcast %get3A_163 : vector<1x128xf32> to vector<128x128xf32>
    %add3A_165 = arith.addf %dot_general3A_160, %add3A_164 : vector<128x128xf32>
    %mul3A_166 = vector.broadcast %slice3A_153 : vector<128x1xf32> to vector<128x128xf32>
    %mul3A_167 = arith.mulf %mul3A_166, %add3A_165 : vector<128x128xf32>
    %add3A_168 = arith.addf %add3A_152, %mul3A_167 : vector<128x128xf32>
    %slice3A_169 = vector.extract_strided_slice %div3A_28 {offsets = [0, 6], sizes = [128, 1], strides = [1, 1]} : vector<128x20xf32> to vector<128x1xf32>
    %get3A_170 = arith.constant 6 : index
    %get3A_171 = arith.constant 0 : index
    %get3A_172 = arith.constant 0 : index
    %get3A_173 = vector.load %arg8[%get3A_170, %get3A_171, %get3A_172] : memref<21x200x128xf32, #tpu.memory_space<vmem>>, vector<1x200x128xf32>
    %get3A_174 = vector.shape_cast %get3A_173 : vector<1x200x128xf32> to vector<200x128xf32>
    %dot_general3A_175 = arith.constant dense<0.000000e+00> : vector<128x128xf32>
    %dot_general3A_176 = tpu.matmul %mul3A, %get3A_174, %dot_general3A_175 {dimension_numbers = #tpu.dot_dimension_numbers<[1], [0], [0], [1], [0, 0, 1, 1], [], []>, transpose_lhs_hint = false} : vector<128x200xf32>, vector<200x128xf32>, vector<128x128xf32> -> vector<128x128xf32>
    %get3A_177 = arith.constant 6 : index
    %get3A_178 = arith.constant 0 : index
    %get3A_179 = vector.load %arg9[%get3A_177, %get3A_178] : memref<21x128xf32, #tpu.memory_space<vmem>>, vector<1x128xf32>
    %add3A_180 = vector.broadcast %get3A_179 : vector<1x128xf32> to vector<128x128xf32>
    %add3A_181 = arith.addf %dot_general3A_176, %add3A_180 : vector<128x128xf32>
    %mul3A_182 = vector.broadcast %slice3A_169 : vector<128x1xf32> to vector<128x128xf32>
    %mul3A_183 = arith.mulf %mul3A_182, %add3A_181 : vector<128x128xf32>
    %add3A_184 = arith.addf %add3A_168, %mul3A_183 : vector<128x128xf32>
    %slice3A_185 = vector.extract_strided_slice %div3A_28 {offsets = [0, 7], sizes = [128, 1], strides = [1, 1]} : vector<128x20xf32> to vector<128x1xf32>
    %get3A_186 = arith.constant 7 : index
    %get3A_187 = arith.constant 0 : index
    %get3A_188 = arith.constant 0 : index
    %get3A_189 = vector.load %arg8[%get3A_186, %get3A_187, %get3A_188] : memref<21x200x128xf32, #tpu.memory_space<vmem>>, vector<1x200x128xf32>
    %get3A_190 = vector.shape_cast %get3A_189 : vector<1x200x128xf32> to vector<200x128xf32>
    %dot_general3A_191 = arith.constant dense<0.000000e+00> : vector<128x128xf32>
    %dot_general3A_192 = tpu.matmul %mul3A, %get3A_190, %dot_general3A_191 {dimension_numbers = #tpu.dot_dimension_numbers<[1], [0], [0], [1], [0, 0, 1, 1], [], []>, transpose_lhs_hint = false} : vector<128x200xf32>, vector<200x128xf32>, vector<128x128xf32> -> vector<128x128xf32>
    %get3A_193 = arith.constant 7 : index
    %get3A_194 = arith.constant 0 : index
    %get3A_195 = vector.load %arg9[%get3A_193, %get3A_194] : memref<21x128xf32, #tpu.memory_space<vmem>>, vector<1x128xf32>
    %add3A_196 = vector.broadcast %get3A_195 : vector<1x128xf32> to vector<128x128xf32>
    %add3A_197 = arith.addf %dot_general3A_192, %add3A_196 : vector<128x128xf32>
    %mul3A_198 = vector.broadcast %slice3A_185 : vector<128x1xf32> to vector<128x128xf32>
    %mul3A_199 = arith.mulf %mul3A_198, %add3A_197 : vector<128x128xf32>
    %add3A_200 = arith.addf %add3A_184, %mul3A_199 : vector<128x128xf32>
    %slice3A_201 = vector.extract_strided_slice %div3A_28 {offsets = [0, 8], sizes = [128, 1], strides = [1, 1]} : vector<128x20xf32> to vector<128x1xf32>
    %get3A_202 = arith.constant 8 : index
    %get3A_203 = arith.constant 0 : index
    %get3A_204 = arith.constant 0 : index
    %get3A_205 = vector.load %arg8[%get3A_202, %get3A_203, %get3A_204] : memref<21x200x128xf32, #tpu.memory_space<vmem>>, vector<1x200x128xf32>
    %get3A_206 = vector.shape_cast %get3A_205 : vector<1x200x128xf32> to vector<200x128xf32>
    %dot_general3A_207 = arith.constant dense<0.000000e+00> : vector<128x128xf32>
    %dot_general3A_208 = tpu.matmul %mul3A, %get3A_206, %dot_general3A_207 {dimension_numbers = #tpu.dot_dimension_numbers<[1], [0], [0], [1], [0, 0, 1, 1], [], []>, transpose_lhs_hint = false} : vector<128x200xf32>, vector<200x128xf32>, vector<128x128xf32> -> vector<128x128xf32>
    %get3A_209 = arith.constant 8 : index
    %get3A_210 = arith.constant 0 : index
    %get3A_211 = vector.load %arg9[%get3A_209, %get3A_210] : memref<21x128xf32, #tpu.memory_space<vmem>>, vector<1x128xf32>
    %add3A_212 = vector.broadcast %get3A_211 : vector<1x128xf32> to vector<128x128xf32>
    %add3A_213 = arith.addf %dot_general3A_208, %add3A_212 : vector<128x128xf32>
    %mul3A_214 = vector.broadcast %slice3A_201 : vector<128x1xf32> to vector<128x128xf32>
    %mul3A_215 = arith.mulf %mul3A_214, %add3A_213 : vector<128x128xf32>
    %add3A_216 = arith.addf %add3A_200, %mul3A_215 : vector<128x128xf32>
    %slice3A_217 = vector.extract_strided_slice %div3A_28 {offsets = [0, 9], sizes = [128, 1], strides = [1, 1]} : vector<128x20xf32> to vector<128x1xf32>
    %get3A_218 = arith.constant 9 : index
    %get3A_219 = arith.constant 0 : index
    %get3A_220 = arith.constant 0 : index
    %get3A_221 = vector.load %arg8[%get3A_218, %get3A_219, %get3A_220] : memref<21x200x128xf32, #tpu.memory_space<vmem>>, vector<1x200x128xf32>
    %get3A_222 = vector.shape_cast %get3A_221 : vector<1x200x128xf32> to vector<200x128xf32>
    %dot_general3A_223 = arith.constant dense<0.000000e+00> : vector<128x128xf32>
    %dot_general3A_224 = tpu.matmul %mul3A, %get3A_222, %dot_general3A_223 {dimension_numbers = #tpu.dot_dimension_numbers<[1], [0], [0], [1], [0, 0, 1, 1], [], []>, transpose_lhs_hint = false} : vector<128x200xf32>, vector<200x128xf32>, vector<128x128xf32> -> vector<128x128xf32>
    %get3A_225 = arith.constant 9 : index
    %get3A_226 = arith.constant 0 : index
    %get3A_227 = vector.load %arg9[%get3A_225, %get3A_226] : memref<21x128xf32, #tpu.memory_space<vmem>>, vector<1x128xf32>
    %add3A_228 = vector.broadcast %get3A_227 : vector<1x128xf32> to vector<128x128xf32>
    %add3A_229 = arith.addf %dot_general3A_224, %add3A_228 : vector<128x128xf32>
    %mul3A_230 = vector.broadcast %slice3A_217 : vector<128x1xf32> to vector<128x128xf32>
    %mul3A_231 = arith.mulf %mul3A_230, %add3A_229 : vector<128x128xf32>
    %add3A_232 = arith.addf %add3A_216, %mul3A_231 : vector<128x128xf32>
    %slice3A_233 = vector.extract_strided_slice %div3A_28 {offsets = [0, 10], sizes = [128, 1], strides = [1, 1]} : vector<128x20xf32> to vector<128x1xf32>
    %get3A_234 = arith.constant 10 : index
    %get3A_235 = arith.constant 0 : index
    %get3A_236 = arith.constant 0 : index
    %get3A_237 = vector.load %arg8[%get3A_234, %get3A_235, %get3A_236] : memref<21x200x128xf32, #tpu.memory_space<vmem>>, vector<1x200x128xf32>
    %get3A_238 = vector.shape_cast %get3A_237 : vector<1x200x128xf32> to vector<200x128xf32>
    %dot_general3A_239 = arith.constant dense<0.000000e+00> : vector<128x128xf32>
    %dot_general3A_240 = tpu.matmul %mul3A, %get3A_238, %dot_general3A_239 {dimension_numbers = #tpu.dot_dimension_numbers<[1], [0], [0], [1], [0, 0, 1, 1], [], []>, transpose_lhs_hint = false} : vector<128x200xf32>, vector<200x128xf32>, vector<128x128xf32> -> vector<128x128xf32>
    %get3A_241 = arith.constant 10 : index
    %get3A_242 = arith.constant 0 : index
    %get3A_243 = vector.load %arg9[%get3A_241, %get3A_242] : memref<21x128xf32, #tpu.memory_space<vmem>>, vector<1x128xf32>
    %add3A_244 = vector.broadcast %get3A_243 : vector<1x128xf32> to vector<128x128xf32>
    %add3A_245 = arith.addf %dot_general3A_240, %add3A_244 : vector<128x128xf32>
    %mul3A_246 = vector.broadcast %slice3A_233 : vector<128x1xf32> to vector<128x128xf32>
    %mul3A_247 = arith.mulf %mul3A_246, %add3A_245 : vector<128x128xf32>
    %add3A_248 = arith.addf %add3A_232, %mul3A_247 : vector<128x128xf32>
    %slice3A_249 = vector.extract_strided_slice %div3A_28 {offsets = [0, 11], sizes = [128, 1], strides = [1, 1]} : vector<128x20xf32> to vector<128x1xf32>
    %get3A_250 = arith.constant 11 : index
    %get3A_251 = arith.constant 0 : index
    %get3A_252 = arith.constant 0 : index
    %get3A_253 = vector.load %arg8[%get3A_250, %get3A_251, %get3A_252] : memref<21x200x128xf32, #tpu.memory_space<vmem>>, vector<1x200x128xf32>
    %get3A_254 = vector.shape_cast %get3A_253 : vector<1x200x128xf32> to vector<200x128xf32>
    %dot_general3A_255 = arith.constant dense<0.000000e+00> : vector<128x128xf32>
    %dot_general3A_256 = tpu.matmul %mul3A, %get3A_254, %dot_general3A_255 {dimension_numbers = #tpu.dot_dimension_numbers<[1], [0], [0], [1], [0, 0, 1, 1], [], []>, transpose_lhs_hint = false} : vector<128x200xf32>, vector<200x128xf32>, vector<128x128xf32> -> vector<128x128xf32>
    %get3A_257 = arith.constant 11 : index
    %get3A_258 = arith.constant 0 : index
    %get3A_259 = vector.load %arg9[%get3A_257, %get3A_258] : memref<21x128xf32, #tpu.memory_space<vmem>>, vector<1x128xf32>
    %add3A_260 = vector.broadcast %get3A_259 : vector<1x128xf32> to vector<128x128xf32>
    %add3A_261 = arith.addf %dot_general3A_256, %add3A_260 : vector<128x128xf32>
    %mul3A_262 = vector.broadcast %slice3A_249 : vector<128x1xf32> to vector<128x128xf32>
    %mul3A_263 = arith.mulf %mul3A_262, %add3A_261 : vector<128x128xf32>
    %add3A_264 = arith.addf %add3A_248, %mul3A_263 : vector<128x128xf32>
    %slice3A_265 = vector.extract_strided_slice %div3A_28 {offsets = [0, 12], sizes = [128, 1], strides = [1, 1]} : vector<128x20xf32> to vector<128x1xf32>
    %get3A_266 = arith.constant 12 : index
    %get3A_267 = arith.constant 0 : index
    %get3A_268 = arith.constant 0 : index
    %get3A_269 = vector.load %arg8[%get3A_266, %get3A_267, %get3A_268] : memref<21x200x128xf32, #tpu.memory_space<vmem>>, vector<1x200x128xf32>
    %get3A_270 = vector.shape_cast %get3A_269 : vector<1x200x128xf32> to vector<200x128xf32>
    %dot_general3A_271 = arith.constant dense<0.000000e+00> : vector<128x128xf32>
    %dot_general3A_272 = tpu.matmul %mul3A, %get3A_270, %dot_general3A_271 {dimension_numbers = #tpu.dot_dimension_numbers<[1], [0], [0], [1], [0, 0, 1, 1], [], []>, transpose_lhs_hint = false} : vector<128x200xf32>, vector<200x128xf32>, vector<128x128xf32> -> vector<128x128xf32>
    %get3A_273 = arith.constant 12 : index
    %get3A_274 = arith.constant 0 : index
    %get3A_275 = vector.load %arg9[%get3A_273, %get3A_274] : memref<21x128xf32, #tpu.memory_space<vmem>>, vector<1x128xf32>
    %add3A_276 = vector.broadcast %get3A_275 : vector<1x128xf32> to vector<128x128xf32>
    %add3A_277 = arith.addf %dot_general3A_272, %add3A_276 : vector<128x128xf32>
    %mul3A_278 = vector.broadcast %slice3A_265 : vector<128x1xf32> to vector<128x128xf32>
    %mul3A_279 = arith.mulf %mul3A_278, %add3A_277 : vector<128x128xf32>
    %add3A_280 = arith.addf %add3A_264, %mul3A_279 : vector<128x128xf32>
    %slice3A_281 = vector.extract_strided_slice %div3A_28 {offsets = [0, 13], sizes = [128, 1], strides = [1, 1]} : vector<128x20xf32> to vector<128x1xf32>
    %get3A_282 = arith.constant 13 : index
    %get3A_283 = arith.constant 0 : index
    %get3A_284 = arith.constant 0 : index
    %get3A_285 = vector.load %arg8[%get3A_282, %get3A_283, %get3A_284] : memref<21x200x128xf32, #tpu.memory_space<vmem>>, vector<1x200x128xf32>
    %get3A_286 = vector.shape_cast %get3A_285 : vector<1x200x128xf32> to vector<200x128xf32>
    %dot_general3A_287 = arith.constant dense<0.000000e+00> : vector<128x128xf32>
    %dot_general3A_288 = tpu.matmul %mul3A, %get3A_286, %dot_general3A_287 {dimension_numbers = #tpu.dot_dimension_numbers<[1], [0], [0], [1], [0, 0, 1, 1], [], []>, transpose_lhs_hint = false} : vector<128x200xf32>, vector<200x128xf32>, vector<128x128xf32> -> vector<128x128xf32>
    %get3A_289 = arith.constant 13 : index
    %get3A_290 = arith.constant 0 : index
    %get3A_291 = vector.load %arg9[%get3A_289, %get3A_290] : memref<21x128xf32, #tpu.memory_space<vmem>>, vector<1x128xf32>
    %add3A_292 = vector.broadcast %get3A_291 : vector<1x128xf32> to vector<128x128xf32>
    %add3A_293 = arith.addf %dot_general3A_288, %add3A_292 : vector<128x128xf32>
    %mul3A_294 = vector.broadcast %slice3A_281 : vector<128x1xf32> to vector<128x128xf32>
    %mul3A_295 = arith.mulf %mul3A_294, %add3A_293 : vector<128x128xf32>
    %add3A_296 = arith.addf %add3A_280, %mul3A_295 : vector<128x128xf32>
    %slice3A_297 = vector.extract_strided_slice %div3A_28 {offsets = [0, 14], sizes = [128, 1], strides = [1, 1]} : vector<128x20xf32> to vector<128x1xf32>
    %get3A_298 = arith.constant 14 : index
    %get3A_299 = arith.constant 0 : index
    %get3A_300 = arith.constant 0 : index
    %get3A_301 = vector.load %arg8[%get3A_298, %get3A_299, %get3A_300] : memref<21x200x128xf32, #tpu.memory_space<vmem>>, vector<1x200x128xf32>
    %get3A_302 = vector.shape_cast %get3A_301 : vector<1x200x128xf32> to vector<200x128xf32>
    %dot_general3A_303 = arith.constant dense<0.000000e+00> : vector<128x128xf32>
    %dot_general3A_304 = tpu.matmul %mul3A, %get3A_302, %dot_general3A_303 {dimension_numbers = #tpu.dot_dimension_numbers<[1], [0], [0], [1], [0, 0, 1, 1], [], []>, transpose_lhs_hint = false} : vector<128x200xf32>, vector<200x128xf32>, vector<128x128xf32> -> vector<128x128xf32>
    %get3A_305 = arith.constant 14 : index
    %get3A_306 = arith.constant 0 : index
    %get3A_307 = vector.load %arg9[%get3A_305, %get3A_306] : memref<21x128xf32, #tpu.memory_space<vmem>>, vector<1x128xf32>
    %add3A_308 = vector.broadcast %get3A_307 : vector<1x128xf32> to vector<128x128xf32>
    %add3A_309 = arith.addf %dot_general3A_304, %add3A_308 : vector<128x128xf32>
    %mul3A_310 = vector.broadcast %slice3A_297 : vector<128x1xf32> to vector<128x128xf32>
    %mul3A_311 = arith.mulf %mul3A_310, %add3A_309 : vector<128x128xf32>
    %add3A_312 = arith.addf %add3A_296, %mul3A_311 : vector<128x128xf32>
    %slice3A_313 = vector.extract_strided_slice %div3A_28 {offsets = [0, 15], sizes = [128, 1], strides = [1, 1]} : vector<128x20xf32> to vector<128x1xf32>
    %get3A_314 = arith.constant 15 : index
    %get3A_315 = arith.constant 0 : index
    %get3A_316 = arith.constant 0 : index
    %get3A_317 = vector.load %arg8[%get3A_314, %get3A_315, %get3A_316] : memref<21x200x128xf32, #tpu.memory_space<vmem>>, vector<1x200x128xf32>
    %get3A_318 = vector.shape_cast %get3A_317 : vector<1x200x128xf32> to vector<200x128xf32>
    %dot_general3A_319 = arith.constant dense<0.000000e+00> : vector<128x128xf32>
    %dot_general3A_320 = tpu.matmul %mul3A, %get3A_318, %dot_general3A_319 {dimension_numbers = #tpu.dot_dimension_numbers<[1], [0], [0], [1], [0, 0, 1, 1], [], []>, transpose_lhs_hint = false} : vector<128x200xf32>, vector<200x128xf32>, vector<128x128xf32> -> vector<128x128xf32>
    %get3A_321 = arith.constant 15 : index
    %get3A_322 = arith.constant 0 : index
    %get3A_323 = vector.load %arg9[%get3A_321, %get3A_322] : memref<21x128xf32, #tpu.memory_space<vmem>>, vector<1x128xf32>
    %add3A_324 = vector.broadcast %get3A_323 : vector<1x128xf32> to vector<128x128xf32>
    %add3A_325 = arith.addf %dot_general3A_320, %add3A_324 : vector<128x128xf32>
    %mul3A_326 = vector.broadcast %slice3A_313 : vector<128x1xf32> to vector<128x128xf32>
    %mul3A_327 = arith.mulf %mul3A_326, %add3A_325 : vector<128x128xf32>
    %add3A_328 = arith.addf %add3A_312, %mul3A_327 : vector<128x128xf32>
    %slice3A_329 = vector.extract_strided_slice %div3A_28 {offsets = [0, 16], sizes = [128, 1], strides = [1, 1]} : vector<128x20xf32> to vector<128x1xf32>
    %get3A_330 = arith.constant 16 : index
    %get3A_331 = arith.constant 0 : index
    %get3A_332 = arith.constant 0 : index
    %get3A_333 = vector.load %arg8[%get3A_330, %get3A_331, %get3A_332] : memref<21x200x128xf32, #tpu.memory_space<vmem>>, vector<1x200x128xf32>
    %get3A_334 = vector.shape_cast %get3A_333 : vector<1x200x128xf32> to vector<200x128xf32>
    %dot_general3A_335 = arith.constant dense<0.000000e+00> : vector<128x128xf32>
    %dot_general3A_336 = tpu.matmul %mul3A, %get3A_334, %dot_general3A_335 {dimension_numbers = #tpu.dot_dimension_numbers<[1], [0], [0], [1], [0, 0, 1, 1], [], []>, transpose_lhs_hint = false} : vector<128x200xf32>, vector<200x128xf32>, vector<128x128xf32> -> vector<128x128xf32>
    %get3A_337 = arith.constant 16 : index
    %get3A_338 = arith.constant 0 : index
    %get3A_339 = vector.load %arg9[%get3A_337, %get3A_338] : memref<21x128xf32, #tpu.memory_space<vmem>>, vector<1x128xf32>
    %add3A_340 = vector.broadcast %get3A_339 : vector<1x128xf32> to vector<128x128xf32>
    %add3A_341 = arith.addf %dot_general3A_336, %add3A_340 : vector<128x128xf32>
    %mul3A_342 = vector.broadcast %slice3A_329 : vector<128x1xf32> to vector<128x128xf32>
    %mul3A_343 = arith.mulf %mul3A_342, %add3A_341 : vector<128x128xf32>
    %add3A_344 = arith.addf %add3A_328, %mul3A_343 : vector<128x128xf32>
    %slice3A_345 = vector.extract_strided_slice %div3A_28 {offsets = [0, 17], sizes = [128, 1], strides = [1, 1]} : vector<128x20xf32> to vector<128x1xf32>
    %get3A_346 = arith.constant 17 : index
    %get3A_347 = arith.constant 0 : index
    %get3A_348 = arith.constant 0 : index
    %get3A_349 = vector.load %arg8[%get3A_346, %get3A_347, %get3A_348] : memref<21x200x128xf32, #tpu.memory_space<vmem>>, vector<1x200x128xf32>
    %get3A_350 = vector.shape_cast %get3A_349 : vector<1x200x128xf32> to vector<200x128xf32>
    %dot_general3A_351 = arith.constant dense<0.000000e+00> : vector<128x128xf32>
    %dot_general3A_352 = tpu.matmul %mul3A, %get3A_350, %dot_general3A_351 {dimension_numbers = #tpu.dot_dimension_numbers<[1], [0], [0], [1], [0, 0, 1, 1], [], []>, transpose_lhs_hint = false} : vector<128x200xf32>, vector<200x128xf32>, vector<128x128xf32> -> vector<128x128xf32>
    %get3A_353 = arith.constant 17 : index
    %get3A_354 = arith.constant 0 : index
    %get3A_355 = vector.load %arg9[%get3A_353, %get3A_354] : memref<21x128xf32, #tpu.memory_space<vmem>>, vector<1x128xf32>
    %add3A_356 = vector.broadcast %get3A_355 : vector<1x128xf32> to vector<128x128xf32>
    %add3A_357 = arith.addf %dot_general3A_352, %add3A_356 : vector<128x128xf32>
    %mul3A_358 = vector.broadcast %slice3A_345 : vector<128x1xf32> to vector<128x128xf32>
    %mul3A_359 = arith.mulf %mul3A_358, %add3A_357 : vector<128x128xf32>
    %add3A_360 = arith.addf %add3A_344, %mul3A_359 : vector<128x128xf32>
    %slice3A_361 = vector.extract_strided_slice %div3A_28 {offsets = [0, 18], sizes = [128, 1], strides = [1, 1]} : vector<128x20xf32> to vector<128x1xf32>
    %get3A_362 = arith.constant 18 : index
    %get3A_363 = arith.constant 0 : index
    %get3A_364 = arith.constant 0 : index
    %get3A_365 = vector.load %arg8[%get3A_362, %get3A_363, %get3A_364] : memref<21x200x128xf32, #tpu.memory_space<vmem>>, vector<1x200x128xf32>
    %get3A_366 = vector.shape_cast %get3A_365 : vector<1x200x128xf32> to vector<200x128xf32>
    %dot_general3A_367 = arith.constant dense<0.000000e+00> : vector<128x128xf32>
    %dot_general3A_368 = tpu.matmul %mul3A, %get3A_366, %dot_general3A_367 {dimension_numbers = #tpu.dot_dimension_numbers<[1], [0], [0], [1], [0, 0, 1, 1], [], []>, transpose_lhs_hint = false} : vector<128x200xf32>, vector<200x128xf32>, vector<128x128xf32> -> vector<128x128xf32>
    %get3A_369 = arith.constant 18 : index
    %get3A_370 = arith.constant 0 : index
    %get3A_371 = vector.load %arg9[%get3A_369, %get3A_370] : memref<21x128xf32, #tpu.memory_space<vmem>>, vector<1x128xf32>
    %add3A_372 = vector.broadcast %get3A_371 : vector<1x128xf32> to vector<128x128xf32>
    %add3A_373 = arith.addf %dot_general3A_368, %add3A_372 : vector<128x128xf32>
    %mul3A_374 = vector.broadcast %slice3A_361 : vector<128x1xf32> to vector<128x128xf32>
    %mul3A_375 = arith.mulf %mul3A_374, %add3A_373 : vector<128x128xf32>
    %add3A_376 = arith.addf %add3A_360, %mul3A_375 : vector<128x128xf32>
    %slice3A_377 = vector.extract_strided_slice %div3A_28 {offsets = [0, 19], sizes = [128, 1], strides = [1, 1]} : vector<128x20xf32> to vector<128x1xf32>
    %get3A_378 = arith.constant 19 : index
    %get3A_379 = arith.constant 0 : index
    %get3A_380 = arith.constant 0 : index
    %get3A_381 = vector.load %arg8[%get3A_378, %get3A_379, %get3A_380] : memref<21x200x128xf32, #tpu.memory_space<vmem>>, vector<1x200x128xf32>
    %get3A_382 = vector.shape_cast %get3A_381 : vector<1x200x128xf32> to vector<200x128xf32>
    %dot_general3A_383 = arith.constant dense<0.000000e+00> : vector<128x128xf32>
    %dot_general3A_384 = tpu.matmul %mul3A, %get3A_382, %dot_general3A_383 {dimension_numbers = #tpu.dot_dimension_numbers<[1], [0], [0], [1], [0, 0, 1, 1], [], []>, transpose_lhs_hint = false} : vector<128x200xf32>, vector<200x128xf32>, vector<128x128xf32> -> vector<128x128xf32>
    %get3A_385 = arith.constant 19 : index
    %get3A_386 = arith.constant 0 : index
    %get3A_387 = vector.load %arg9[%get3A_385, %get3A_386] : memref<21x128xf32, #tpu.memory_space<vmem>>, vector<1x128xf32>
    %add3A_388 = vector.broadcast %get3A_387 : vector<1x128xf32> to vector<128x128xf32>
    %add3A_389 = arith.addf %dot_general3A_384, %add3A_388 : vector<128x128xf32>
    %mul3A_390 = vector.broadcast %slice3A_377 : vector<128x1xf32> to vector<128x128xf32>
    %mul3A_391 = arith.mulf %mul3A_390, %add3A_389 : vector<128x128xf32>
    %add3A_392 = arith.addf %add3A_376, %mul3A_391 : vector<128x128xf32>
    %get3A_393 = arith.constant 0 : index
    %get3A_394 = arith.constant 0 : index
    %get3A_395 = vector.load %arg15[%get3A_393, %get3A_394] : memref<1x128xf32, #tpu.memory_space<vmem>>, vector<1x128xf32>
    %get3A_396 = arith.constant 0 : index
    %get3A_397 = arith.constant 0 : index
    %get3A_398 = vector.load %arg16[%get3A_396, %get3A_397] : memref<1x128xf32, #tpu.memory_space<vmem>>, vector<1x128xf32>
    %reduce_sum3A_399 = arith.constant dense<0.000000e+00> : vector<128xf32>
    %reduce_sum3A_400 = vector.multi_reduction <add>, %add3A_392, %reduce_sum3A_399 [0] : vector<128x128xf32> to vector<128xf32>
    %div3A_401 = arith.constant 1.280000e+02 : f32
    %div3A_402 = vector.broadcast %div3A_401 : f32 to vector<128xf32>
    %div3A_403 = arith.divf %reduce_sum3A_400, %div3A_402 : vector<128xf32>
    %broadcast_in_dim3A_404 = vector.shape_cast %div3A_403 : vector<128xf32> to vector<1x128xf32>
    %sub3A = vector.broadcast %broadcast_in_dim3A_404 : vector<1x128xf32> to vector<128x128xf32>
    %sub3A_405 = arith.subf %add3A_392, %sub3A : vector<128x128xf32>
    %integer_pow3A = arith.mulf %sub3A_405, %sub3A_405 : vector<128x128xf32>
    %reduce_sum3A_406 = arith.constant dense<0.000000e+00> : vector<128xf32>
    %reduce_sum3A_407 = vector.multi_reduction <add>, %integer_pow3A, %reduce_sum3A_406 [0] : vector<128x128xf32> to vector<128xf32>
    %div3A_408 = arith.constant 1.280000e+02 : f32
    %div3A_409 = vector.broadcast %div3A_408 : f32 to vector<128xf32>
    %div3A_410 = arith.divf %reduce_sum3A_407, %div3A_409 : vector<128xf32>
    %broadcast_in_dim3A_411 = vector.shape_cast %div3A_403 : vector<128xf32> to vector<1x128xf32>
    %sub3A_412 = vector.broadcast %broadcast_in_dim3A_411 : vector<1x128xf32> to vector<128x128xf32>
    %sub3A_413 = arith.subf %add3A_392, %sub3A_412 : vector<128x128xf32>
    %add3A_414 = arith.constant 9.99999974E-6 : f32
    %add3A_415 = vector.broadcast %add3A_414 : f32 to vector<128xf32>
    %add3A_416 = arith.addf %div3A_410, %add3A_415 : vector<128xf32>
    %sqrt3A = math.sqrt %add3A_416 : vector<128xf32>
    %broadcast_in_dim3A_417 = vector.shape_cast %sqrt3A : vector<128xf32> to vector<1x128xf32>
    %div3A_418 = vector.broadcast %broadcast_in_dim3A_417 : vector<1x128xf32> to vector<128x128xf32>
    %div3A_419 = arith.divf %sub3A_413, %div3A_418 : vector<128x128xf32>
    %mul3A_420 = vector.broadcast %get3A_395 : vector<1x128xf32> to vector<128x128xf32>
    %mul3A_421 = arith.mulf %div3A_419, %mul3A_420 : vector<128x128xf32>
    %add3A_422 = vector.broadcast %get3A_398 : vector<1x128xf32> to vector<128x128xf32>
    %add3A_423 = arith.addf %mul3A_421, %add3A_422 : vector<128x128xf32>
    %max3A_424 = arith.constant 0.000000e+00 : f32
    %max3A_425 = vector.broadcast %max3A_424 : f32 to vector<128x128xf32>
    %max3A_426 = arith.maximumf %add3A_423, %max3A_425 : vector<128x128xf32>
    %get3A_427 = arith.constant 0 : index
    %get3A_428 = arith.constant 0 : index
    %get3A_429 = vector.load %arg11[%get3A_427, %get3A_428] : memref<128x32xf32, #tpu.memory_space<vmem>>, vector<128x32xf32>
    %dot_general3A_430 = arith.constant dense<0.000000e+00> : vector<128x32xf32>
    %dot_general3A_431 = tpu.matmul %max3A_426, %get3A_429, %dot_general3A_430 {dimension_numbers = #tpu.dot_dimension_numbers<[1], [0], [0], [1], [0, 0, 1, 1], [], []>, transpose_lhs_hint = false} : vector<128x128xf32>, vector<128x32xf32>, vector<128x32xf32> -> vector<128x32xf32>
    %get3A_432 = arith.constant 0 : index
    %get3A_433 = arith.constant 0 : index
    %get3A_434 = vector.load %arg12[%get3A_432, %get3A_433] : memref<1x32xf32, #tpu.memory_space<vmem>>, vector<1x32xf32>
    %add3A_435 = vector.broadcast %get3A_434 : vector<1x32xf32> to vector<128x32xf32>
    %add3A_436 = arith.addf %dot_general3A_431, %add3A_435 : vector<128x32xf32>
    %get3A_437 = arith.constant 0 : index
    %get3A_438 = arith.constant 0 : index
    %get3A_439 = vector.load %arg17[%get3A_437, %get3A_438] : memref<1x32xf32, #tpu.memory_space<vmem>>, vector<1x32xf32>
    %get3A_440 = arith.constant 0 : index
    %get3A_441 = arith.constant 0 : index
    %get3A_442 = vector.load %arg18[%get3A_440, %get3A_441] : memref<1x32xf32, #tpu.memory_space<vmem>>, vector<1x32xf32>
    %reduce_sum3A_443 = arith.constant dense<0.000000e+00> : vector<32xf32>
    %reduce_sum3A_444 = vector.multi_reduction <add>, %add3A_436, %reduce_sum3A_443 [0] : vector<128x32xf32> to vector<32xf32>
    %div3A_445 = arith.constant 1.280000e+02 : f32
    %div3A_446 = vector.broadcast %div3A_445 : f32 to vector<32xf32>
    %div3A_447 = arith.divf %reduce_sum3A_444, %div3A_446 : vector<32xf32>
    %broadcast_in_dim3A_448 = vector.shape_cast %div3A_447 : vector<32xf32> to vector<1x32xf32>
    %sub3A_449 = vector.broadcast %broadcast_in_dim3A_448 : vector<1x32xf32> to vector<128x32xf32>
    %sub3A_450 = arith.subf %add3A_436, %sub3A_449 : vector<128x32xf32>
    %integer_pow3A_451 = arith.mulf %sub3A_450, %sub3A_450 : vector<128x32xf32>
    %reduce_sum3A_452 = arith.constant dense<0.000000e+00> : vector<32xf32>
    %reduce_sum3A_453 = vector.multi_reduction <add>, %integer_pow3A_451, %reduce_sum3A_452 [0] : vector<128x32xf32> to vector<32xf32>
    %div3A_454 = arith.constant 1.280000e+02 : f32
    %div3A_455 = vector.broadcast %div3A_454 : f32 to vector<32xf32>
    %div3A_456 = arith.divf %reduce_sum3A_453, %div3A_455 : vector<32xf32>
    %broadcast_in_dim3A_457 = vector.shape_cast %div3A_447 : vector<32xf32> to vector<1x32xf32>
    %sub3A_458 = vector.broadcast %broadcast_in_dim3A_457 : vector<1x32xf32> to vector<128x32xf32>
    %sub3A_459 = arith.subf %add3A_436, %sub3A_458 : vector<128x32xf32>
    %add3A_460 = arith.constant 9.99999974E-6 : f32
    %add3A_461 = vector.broadcast %add3A_460 : f32 to vector<32xf32>
    %add3A_462 = arith.addf %div3A_456, %add3A_461 : vector<32xf32>
    %sqrt3A_463 = math.sqrt %add3A_462 : vector<32xf32>
    %broadcast_in_dim3A_464 = vector.shape_cast %sqrt3A_463 : vector<32xf32> to vector<1x32xf32>
    %div3A_465 = vector.broadcast %broadcast_in_dim3A_464 : vector<1x32xf32> to vector<128x32xf32>
    %div3A_466 = arith.divf %sub3A_459, %div3A_465 : vector<128x32xf32>
    %mul3A_467 = vector.broadcast %get3A_439 : vector<1x32xf32> to vector<128x32xf32>
    %mul3A_468 = arith.mulf %div3A_466, %mul3A_467 : vector<128x32xf32>
    %add3A_469 = vector.broadcast %get3A_442 : vector<1x32xf32> to vector<128x32xf32>
    %add3A_470 = arith.addf %mul3A_468, %add3A_469 : vector<128x32xf32>
    %max3A_471 = arith.constant 0.000000e+00 : f32
    %max3A_472 = vector.broadcast %max3A_471 : f32 to vector<128x32xf32>
    %max3A_473 = arith.maximumf %add3A_470, %max3A_472 : vector<128x32xf32>
    %get3A_474 = arith.constant 0 : index
    %get3A_475 = arith.constant 0 : index
    %get3A_476 = vector.load %arg13[%get3A_474, %get3A_475] : memref<32x1xf32, #tpu.memory_space<vmem>>, vector<32x1xf32>
    %dot_general3A_477 = arith.constant dense<0.000000e+00> : vector<128x1xf32>
    %dot_general3A_478 = tpu.matmul %max3A_473, %get3A_476, %dot_general3A_477 {dimension_numbers = #tpu.dot_dimension_numbers<[1], [0], [0], [1], [0, 0, 1, 1], [], []>, transpose_lhs_hint = false} : vector<128x32xf32>, vector<32x1xf32>, vector<128x1xf32> -> vector<128x1xf32>
    %get3A_479 = arith.constant 0 : index
    %get3A_480 = arith.constant 0 : index
    %get3A_481 = vector.load %arg14[%get3A_479, %get3A_480] : memref<1x1xf32, #tpu.memory_space<vmem>>, vector<1x1xf32>
    %add3A_482 = vector.broadcast %get3A_481 : vector<1x1xf32> to vector<128x1xf32>
    %add3A_483 = arith.addf %dot_general3A_478, %add3A_482 : vector<128x1xf32>
    %swap3A = arith.constant 0 : index
    %swap3A_484 = arith.constant 0 : index
    %swap3A_485 = vector.load %arg19[%swap3A, %swap3A_484] : memref<128x1xf32, #tpu.memory_space<vmem>>, vector<128x1xf32>
    tpu.vector_store %arg19[%swap3A, %swap3A_484], %add3A_483 {strides = array<i32>} : memref<128x1xf32, #tpu.memory_space<vmem>>, vector<128x1xf32>,
    return
  }
}

</mosaic_0001>

<sc_bundles>
// kernel: kernel.10.cloned.1.call-start
scs
__scs_entry_jumppad:
0x0: {  	(pc) =	sbr.rel $0x88, $3  }
0x1: {  	(tag) =	ssettag $0x0;
	lr =	simm.s32 $0x1  }
0x2: {  	[smem:$0x3F8D] =	sst lr;
	_ =	strace $0xD0000000  }
0x3: {  	_ = 	snop  }
0x4: {  	_ = 	snop  }
0x5: {  	_ = 	snop  }
0x6: {  	_ = 	snop  }
0x7: {  	_ = 	snop  }
__scs_overlays_trampoline_lowered:
0x8: {  	[smem:$0x3F9C] =	sst s0  }
0x9: {  	[smem:$0x3F9D] =	sst s1  }
0xa: {  	[smem:$0x3F9E] =	sst s2  }
0xb: {  	[smem:$0x3F9F] =	sst s3  }
0xc: {  	[smem:$0x3FA0] =	sst s4  }
0xd: {  	[smem:$0x3FA1] =	sst s5  }
0xe: {  	[smem:$0x3FA2] =	sst s6  }
0xf: {  	[smem:$0x3FA3] =	sst s7  }
0x10: {  	[smem:$0x3FA4] =	sst s8  }
0x11: {  	[smem:$0x3FA5] =	sst s9;
	s0 =	simm.s32 @!p0 $0x0  }
0x12: {  	s1 =	sld [smem:$0x3F8B];
	s0 =	simm.s32 @p0 $0x1  }
0x13: {  	[smem:$0x3FA6] =	sst s0;
	s0 =	simm.s32 @!p1 $0x0  }
0x14: {  	s2 =	sld [smem:$0x3F8A];
	s0 =	simm.s32 @p1 $0x1  }
0x15: {  	[smem:$0x3FA7] =	sst s0;
	s0 =	simm.s32 @!p2 $0x0  }
0x16: {  	s3 =	sld [smem:$0x3FDB];
	s0 =	simm.s32 @p2 $0x1  }
0x17: {  	s4 =	simm.s32 $0x1BF5;
	[smem:$0x3FA9] =	sst s0  }
0x18: {  	s0 =	sld [smem:$0x3F8C];
	_ =	swait.ge [sflag:s4], $0x0  }
0x19: {  	s7 =	sld [smem:$0x3F8D]  }
0x1a: {  	s8 =	sadd.s32 $0xFFFFE003, lr  }
0x1b: {  	s9 =	sadd.s32 $0xFFFFFEF7, lr;
	s5 =	simm.s32 $0xFFFFFFFF;
	p2 =	slt.u32 s8, $0xFFFFF086  }
0x1c: {  	p1 =	slt.u32 s9, $0xF7A;
	s5 =	simm.s32 @!p2 $0x0  }
0x1d: {  	s5 =	simm.s32 @p1 $0x1;
	p0 =	seq.s32 s7, s2  }
0x1e: {  	s7 =	smul.u32 @!p0 $0xF7A, s2;
	p2 =	seq.s32 @!p0 s5, $0x0  }
0x1f: {  	s9 =	smul.u32 $0xF7A, s1;
	s8 =	simm.s32 @!p0 $0x1BF5;
	p2 =	por !p2, p0  }
0x20: {  	[sflag:s8] =	ssyncset.s32 @!p0 $0xFFFFF086;
	s6 =	sadd.s32 @!p0 s3, s7;
	s7 =	simm.s32 @!p0 $0x108  }
0x21: {  	s3 =	sadd.s32 s3, s9;
	s6 =	sadd.s32 @!p0 $0x88, s6;
	s7 =	simm.s32 @p2 $0x1082  }
0x22: {  	[simem:s7], [sflag:s8] =	dma.local @!p0 [hbm:s6], $0xF7A  }
0x23: {  	s9 =	sor.u32 $0xD0000000, s2;
	s6 =	simm.s32 $0x108;
	_ =	swait.ge @!p0 [sflag:s8], $0x0  }
0x24: {  	s3 =	sadd.s32 $0x88, s3;
	s6 =	simm.s32 @!p1 $0x1082;
	[sflag:s4] =	ssyncset.s32 $0xFFFFF086  }
0x25: {  	[simem:s6], [sflag:s4] =	dma.local [hbm:s3], $0xF7A  }
0x26: {  	[smem:$0x3F8D] =	sst s1;
	(tag) =	ssettag s2;
	_ =	strace s9  }
0x27: {  	s1 =	sld [smem:$0x3F9D]  }
0x28: {  	s2 =	sld [smem:$0x3F9E]  }
0x29: {  	s4 =	sld [smem:$0x3FA0]  }
0x2a: {  	p0 =	seq.s32 s5, $0x0;
	s5 =	sld [smem:$0x3FA1]  }
0x2b: {  	s6 =	sld [smem:$0x3FA2]  }
0x2c: {  	s7 =	sld [smem:$0x3FA3]  }
0x2d: {  	s3 =	simm.s32 $0x108;
	s8 =	sld [smem:$0x3FA4]  }
0x2e: {  	s3 =	simm.s32 @!p0 $0x1082;
	s9 =	sld [smem:$0x3FA5]  }
0x2f: {  	lr =	sadd.s32 s0, s3;
	s0 =	sld [smem:$0x3F9C]  }
0x30: {  	s3 =	sld [smem:$0x3F9F]  }
0x31: {  	[smem:$0x3FA8] =	sst s10  }
0x32: {  	s10 =	sld [smem:$0x3FA6];
	_ =	sdelay $0x3  }
0x33: {  	p0 =	seq.s32 s10, $0x1;
	s10 =	sld [smem:$0x3FA8];
	_ =	sdelay $0x3  }
0x34: {  	[smem:$0x3FA8] =	sst s10  }
0x35: {  	s10 =	sld [smem:$0x3FA7];
	_ =	sdelay $0x3  }
0x36: {  	p1 =	seq.s32 s10, $0x1;
	s10 =	sld [smem:$0x3FA8];
	_ =	sdelay $0x3  }
0x37: {  	[smem:$0x3FA8] =	sst s10  }
0x38: {  	s10 =	sld [smem:$0x3FA9]  }
0x39: {  	_ = 	snop;
	(pc) =	sbr.ind lr, $3  }
0x3a: {  	_ = 	snop  }
0x3b: {  	_ = 	snop  }
0x3c: {  	p2 =	seq.s32 s10, $0x1;
	s10 =	sld [smem:$0x3FA8]  }
0x3d: {  	_ =	shalt  }
0x3e: {  	_ =	shalt  }
0x3f: {  	_ =	shalt  }
0x40: {  	_ =	shalt  }
0x41: {  	_ =	shalt  }
0x42: {  	_ =	shalt  }
0x43: {  	_ =	shalt  }
0x44: {  	_ =	shalt  }
0x45: {  	_ =	shalt  }
0x46: {  	_ =	shalt  }
0x47: {  	_ =	shalt  }
0x48: {  	_ =	shalt  }
0x49: {  	_ =	shalt  }
0x4a: {  	_ =	shalt  }
0x4b: {  	_ =	shalt  }
0x4c: {  	_ =	shalt  }
0x4d: {  	_ =	shalt  }
0x4e: {  	_ =	shalt  }
0x4f: {  	_ =	shalt  }
0x50: {  	_ =	shalt  }
0x51: {  	_ =	shalt  }
0x52: {  	_ =	shalt  }
0x53: {  	_ =	shalt  }
0x54: {  	_ =	shalt  }
0x55: {  	_ =	shalt  }
0x56: {  	_ =	shalt  }
0x57: {  	_ =	shalt  }
0x58: {  	_ =	shalt  }
0x59: {  	_ =	shalt  }
0x5a: {  	_ =	shalt  }
0x5b: {  	_ =	shalt  }
0x5c: {  	_ =	shalt  }
0x5d: {  	_ =	shalt  }
0x5e: {  	_ =	shalt  }
0x5f: {  	_ =	shalt  }
0x60: {  	_ =	shalt  }
0x61: {  	_ =	shalt  }
0x62: {  	_ =	shalt  }
0x63: {  	_ =	shalt  }
0x64: {  	_ =	shalt  }
0x65: {  	_ =	shalt  }
0x66: {  	_ =	shalt  }
0x67: {  	_ =	shalt  }
0x68: {  	_ =	shalt  }
0x69: {  	_ =	shalt  }
0x6a: {  	_ =	shalt  }
0x6b: {  	_ =	shalt  }
0x6c: {  	_ =	shalt  }
0x6d: {  	_ =	shalt  }
0x6e: {  	_ =	shalt  }
0x6f: {  	_ =	shalt  }
0x70: {  	_ =	shalt  }
0x71: {  	_ =	shalt  }
0x72: {  	_ =	shalt  }
0x73: {  	_ =	shalt  }
0x74: {  	_ =	shalt  }
0x75: {  	_ =	shalt  }
0x76: {  	_ =	shalt  }
0x77: {  	_ =	shalt  }
0x78: {  	_ =	shalt  }
0x79: {  	_ =	shalt  }
0x7a: {  	_ =	shalt  }
0x7b: {  	_ =	shalt  }
0x7c: {  	_ =	shalt  }
0x7d: {  	_ =	shalt  }
0x7e: {  	_ =	shalt  }
0x7f: {  	_ =	shalt  }
0x80: {  	_ =	shalt  }
0x81: {  	_ =	shalt  }
0x82: {  	_ =	shalt  }
0x83: {  	_ =	shalt  }
0x84: {  	_ =	shalt  }
0x85: {  	_ =	shalt  }
0x86: {  	_ =	shalt  }
0x87: {  	_ =	shalt  }
.Lfunc_end0:
.L_simem_size_0:
called_computation.1_lowered:
.L_overlay_start_0:
0x88: {  	s2 =	sld [smem:$0x3FD9]  }
0x89: {  	s3 =	sld [smem:$0x3FFE];
	_ =	sdelay $0x1  }
0x8a: {  	s1 =	srdreg.scid  }
0x8b: {  	s0 =	sand.u32 $0x1, s1  }
0x8c: {  	s16 =	sshll.u32 s0, $0xA;
	s2 =	sadd.s32 s3, s2  }
0x8d: {  	s2 =	sadd.s32 s2, s16  }
0x8e: {  	[smem:$0x3FB4] =	sst s2  }
0x8f: {  	_ = 	snop  }
0x90: {  	(tm) =	ssettm $0x1  }
0x91: {  	s17 =	sld [smem:$0x3FFB];
	_ =	sdelay $0x3  }
0x92: {  	_ =	strace s17  }
0x93: {  	s2 =	sld [smem:$0x3FFC];
	_ =	sdelay $0x3  }
0x94: {  	_ =	strace s2  }
0x95: {  	s2 =	sld [smem:$0x3FFD];
	_ =	sdelay $0x3  }
0x96: {  	_ =	strace s2  }
0x97: {  	_ =	strace $0x8FFFFFFF  }
0x98: {  	s18 =	sld [smem:$0x3FDB];
	_ =	sdelay $0x1  }
0x99: {  	s19 =	simm.s32 $_scs_section_size  }
0x9a: {  	s4 =	simm.s32 $_size__tile_overlayer_lowered;
	s5 =	simm.s32 $_tile_overlayer_lowered  }
0x9b: {  	s22 =	simm.s32 $0x1BFF;
	s21 =	sshll.u32 s5, $0x1;
	s2 =	sadd.s32 s19, s18  }
0x9c: {  	s6 =	simm.s32 $0x0;
	s20 =	sshll.u32 s4, $0x1;
	s4 =	sadd.s32 s21, s2  }
0x9d: {  	[timem:s6], [sflag:s22] =	dma.local [hbm:s4], s20  }
0x9e: {  	_ =	swait.ge [sflag:s22], s20  }
0x9f: {  	s3 =	ssub.s32 $0x0, s20;
	[sflag:s22] =	ssyncset.done $0x0  }
0xa0: {  	[sflag:s22] =	ssyncadd.s32 s3;
	_ =	sdelay $0x1  }
0xa1: {  	s23 =	simm.s32 $0x1B8B  }
0xa2: {  	_ =	swait.ge [sflag:s23], $0x1  }
0xa3: {  	[sflag:s23] =	ssyncset.done $0x0  }
0xa4: {  	s25 =	simm.s32 $0x1B8E;
	s24 =	sld [smem:$0x3FFE];
	[sflag:s23] =	ssyncadd.s32 $0xFFFFFFFF  }
0xa5: {  	s26 =	simm.s32 $execute0_lowered;
	[smem:$0x3FD2] =	sst s25  }
0xa6: {  	s4 =	sshll.u32 s26, $0x1;
	_ =	strace $0x80000049;
	[dreg:$0x1] =	wrdreg $0xFFFFFFFF  }
0xa7: {  	s28 =	simm.s32 $_size_execute0_lowered;
	s2 =	sadd.s32 s2, s4;
	[dreg:$0x0] =	wrdreg $0x0  }
0xa8: {  	s4 =	sshll.u32 s28, $0x1;
	[dreg:$0x2] =	wrdreg s2  }
0xa9: {  	[dreg:$0x3] =	wrdreg s4  }
0xaa: {  	[dreg:$0x4] =	wrdreg $0xC0  }
0xab: {  	_ =	task [dreg:s6], $0x5FFFF  }
0xac: {  	[dreg:$0x1] =	wrdreg $0xFFFFFFFF  }
0xad: {  	[dreg:$0x0] =	wrdreg $0x60  }
0xae: {  	[dreg:$0x2] =	wrdreg s24  }
0xaf: {  	[dreg:$0x3] =	wrdreg $0x70000  }
0xb0: {  	[dreg:$0x4] =	wrdreg $0x9  }
0xb1: {  	_ =	task.clear_ibuf [dreg:s6], $0x5FFFF;
	_ =	strace $0x90000049  }
0xb2: {  	s29 =	simm.s32 $0x9;
	_ =	strace $0x8000004B  }
0xb3: {  	_ =	swait.ge [sflag:s29], $0x1  }
0xb4: {  	[sflag:s29] =	ssyncadd.s32 $0xFFFFFFFF  }
0xb5: {  	_ =	strace $0x9000004B  }
0xb6: {  	_ =	sfence  }
0xb7: {  	s30 =	sld [smem:$0x0];
	_ =	sdelay $0x2  }
0xb8: {  	s31 =	sshll.u32 s1, $0xD;
	s1 =	sshrl.u32 s1, $0x2  }
0xb9: {  	s3 =	sand.u32 $0x4000, s31;
	s1 =	sadd.s32 s1, s30  }
0xba: {  	s0 =	sor.u32 s3, s0;
	s1 =	sshll.u32 s1, $0x11  }
0xbb: {  	s0 =	sor.u32 s1, s0  }
0xbc: {  	s0 =	sadd.s32 $0x8F2B, s0  }
0xbd: {  	[sflag:s0] =	ssyncadd.remote.s32 $0x1  }
0xbe: {  	_ =	sfence.sel $0xFFFF  }
0xbf: {  	[dreg:$0x0] =	wrdreg $0xFFFFFFFF;
	(pc) =	sbr.abs _section_cstart, $3  }
0xc0: {  	[dreg:$0x1] =	wrdreg $0xFFFFFFFF  }
0xc1: {  	_ =	task.clear_ibuf [dreg:s6], $0x2FFFF;
	_ =	strace $0x9FFFFFFF  }
0xc2: {  	(tm) =	ssettm $0x7FFFFFFF  }
0xc3: {  	_ =	shalt  }
tec
execute0_lowered:
.L_overlay_start_1:
0x0: {  	(tag) =	ssettag $0x1  }
0x1: {  	s5 =	rddreg [dreg:$0x0]  }
0x2: {  	s0 =	srdreg.scid;
	s2 =	rddreg [dreg:$0x1]  }
0x3: {  	s3 =	simm.s32 $0x0;
	s13 =	simm.s32 $0x15600;
	s14 =	simm.s32 $0x80  }
0x4: {  	s15 =	simm.s32 $0x5000;
	s16 =	simm.s32 $0x6000;
	s17 =	simm.s32 $0x1  }
0x5: {  	s18 =	simm.s32 $0x2;
	s19 =	simm.s32 $0x3;
	s20 =	simm.s32 $0x4  }
0x6: {  	s21 =	simm.s32 $0x4E00;
	s22 =	simm.s32 $0x4E80;
	s23 =	simm.s32 $0x2700  }
0x7: {  	s24 =	simm.s32 $0x2780;
	s25 =	simm.s32 $0x4F00;
	s26 =	simm.s32 $0x4F80  }
0x8: {  	s28 =	simm.s32 $0x0;
	s8 =	sand.u32 $0x1, s0;
	s0 =	stileid.u32  }
0x9: {  	[smem:$0x7FF] =	sst s3;
	s1 =	sshll.u32 s8, $0x4;
	s7 =	smul.u32 $0x4F00, s0  }
0xa: {  	s9 =	ssub.s32 $0x2, s8;
	s30 =	sshll.u32 s0, $0x6;
	p0 =	seq.s32 s8, $0x1  }
0xb: {  	s4 =	sor.u32 s0, s1;
	s1 =	rddreg [dreg:$0x2];
	_ =	strace $0x8000004A  }
0xc: {  	s11 =	sshrl.u32 s9, $0x1;
	s13 =	simm.s32 @!p0 $0x38400;
	s6 =	smul.u32 $0x500, s4  }
0xd: {  	s4 =	sadd.s32 $0x1A00, s5;
	s29 =	sshrl.u32 s7, $0x3;
	s9 =	ssub.s32 s9, s11  }
0xe: {  	s31 =	sadd.s32 s7, s2;
	s12 =	sadd.s32 s29, s5;
	s9 =	smax.u32 s9, $0x1  }
0xf: {  	s11 =	sshrl.u32 s31, $0x3;
	s10 =	sadd.s32 s6, s5;
	s5 =	sadd.s32 $0xB800, s12  }
0x10: {  	s6 =	sor.u32 $0x1C05, s30;
	s7 =	sadd.s32 $0x2E400, s10;
	s8 =	sadd.s32 $0x24400, s10  }
0x11: {  	s10 =	sadd.s32 s13, s12;
	s12 =	simm.s32 $0x5;
	s13 =	simm.s32 $0x2800  }
.LBB2_1:
0x12: {  	[spmem:s11], [sflag:s6] =	dma.local [hbm:s5], $0x9E0  }
0x13: {  	_ =	swait.ge [sflag:s12], $0x9E0  }
0x14: {  	[sflag:s12] =	ssyncset.done $0x0  }
0x15: {  	[sflag:s12] =	ssyncadd.s32 $0xFFFFF620  }
0x16: {  	[tilespmem:s3], [sflag:$0x5] =	stream.linear.gather [hbm4b:s7+s3], $0x2800, $0x38;
	[tilespmem:$0xBF00] =	vst v63  }
0x17: {  	_ =	swait.ge [sflag:s12], $0x2800  }
0x18: {  	[sflag:s12] =	ssyncset.done $0x0  }
0x19: {  	[sflag:s12] =	ssyncadd.s32 $0xFFFFD800  }
0x1a: {  	[tilespmem:s13], [sflag:$0x5] =	stream.linear.gather [hbm4b:s8+s3], $0x2800, $0x38;
	[tilespmem:$0xBF00] =	vst v63  }
0x1b: {  	_ =	swait.ge [sflag:s12], $0x2800  }
0x1c: {  	[sflag:s12] =	ssyncset.done $0x0  }
0x1d: {  	[sflag:s12] =	ssyncadd.s32 $0xFFFFD800  }
0x1e: {  	[bflag:$0x0] =	sbarrier.arrive $0xFFFF  }
0x1f: {  	[tilespmem:s15], [sflag:$0x1] =	stream.indirect.gather [hbm4b:s4+s14], $0x20, s3, s14, $0xb8;
	[tilespmem:$0xBF00] =	vst v63  }
0x20: {  	_ = 	snop  }
0x21: {  	[tilespmem:s16], [sflag:$0x2] =	stream.indirect.gather [hbm4b:s4+s14], $0x20, s14, s14, $0xb8;
	[tilespmem:$0xBF00] =	vst v63  }
0x22: {  	_ =	swait.ge [sflag:s17], $0x1000  }
0x23: {  	[sflag:s17] =	ssyncset.done $0x0  }
0x24: {  	s29 =	simm.s32 $0x2800;
	[sflag:s17] =	ssyncadd.s32 $0xFFFFF000  }
0x25: {  	[spmem:s2] =	stream.indirect.scatter.add.f32 [tilespmem:s15], [sflag:$0x3], $0x20, s29, s14, $0xb8;
	[tilespmem:$0xBF00] =	vst v63  }
0x26: {  	_ =	swait.ge [sflag:s18], $0x1000  }
0x27: {  	[sflag:s18] =	ssyncset.done $0x0  }
0x28: {  	s29 =	simm.s32 $0x2880;
	[sflag:s18] =	ssyncadd.s32 $0xFFFFF000  }
0x29: {  	[spmem:s2] =	stream.indirect.scatter.add.f32 [tilespmem:s16], [sflag:$0x4], $0x20, s29, s14, $0xb8;
	[tilespmem:$0xBF00] =	vst v63  }
0x2a: {  	_ =	swait.ge [sflag:s19], $0x1000  }
0x2b: {  	[sflag:s19] =	ssyncset.done $0x0  }
0x2c: {  	s29 =	simm.s32 $0x100;
	[sflag:s19] =	ssyncadd.s32 $0xFFFFF000  }
0x2d: {  	[tilespmem:s15], [sflag:$0x1] =	stream.indirect.gather [hbm4b:s4+s14], $0x20, s29, s14, $0xb8;
	[tilespmem:$0xBF00] =	vst v63  }
0x2e: {  	_ =	swait.ge [sflag:s20], $0x1000  }
0x2f: {  	[sflag:s20] =	ssyncset.done $0x0  }
0x30: {  	s30 =	simm.s32 $0x180;
	s29 =	simm.s32 $0x400;
	[sflag:s20] =	ssyncadd.s32 $0xFFFFF000  }
.LBB2_2:
0x31: {  	[tilespmem:s16], [sflag:$0x2] =	stream.indirect.gather [hbm4b:s4+s14], $0x20, s30, s14, $0xb8;
	[tilespmem:$0xBF00] =	vst v63  }
0x32: {  	s30 =	smov.u32 s29  }
0x33: {  	p0 =	sne.s32 s29, $0x9400;
	s29 =	sadd.s32 $0x400, s29;
	_ =	swait.ge [sflag:s17], $0x1000  }
0x34: {  	s30 =	sshra.s32 s30, $0x2;
	[sflag:s17] =	ssyncset.done $0x0  }
0x35: {  	s31 =	sadd.s32 $0x2800, s30;
	[sflag:s17] =	ssyncadd.s32 $0xFFFFF000  }
0x36: {  	[spmem:s2] =	stream.indirect.scatter.add.f32 [tilespmem:s15], [sflag:$0x3], $0x20, s31, s14, $0xb8;
	[tilespmem:$0xBF00] =	vst v63  }
0x37: {  	_ =	swait.ge [sflag:s18], $0x1000  }
0x38: {  	[sflag:s18] =	ssyncset.done $0x0  }
0x39: {  	s31 =	sadd.s32 $0x2880, s30;
	[sflag:s18] =	ssyncadd.s32 $0xFFFFF000  }
0x3a: {  	[spmem:s2] =	stream.indirect.scatter.add.f32 [tilespmem:s16], [sflag:$0x4], $0x20, s31, s14, $0xb8;
	[tilespmem:$0xBF00] =	vst v63  }
0x3b: {  	_ =	swait.ge [sflag:s19], $0x1000  }
0x3c: {  	[sflag:s19] =	ssyncset.done $0x0  }
.Ltmp0:
0x3d: {  	s31 =	sadd.s32 $0x100, s30;
	[sflag:s19] =	ssyncadd.s32 $0xFFFFF000;
	(pc) =	sbr.rel @p0 .LBB2_2-.Ltmp0, $4  }
0x3e: {  	[tilespmem:s15], [sflag:$0x1] =	stream.indirect.gather [hbm4b:s4+s14], $0x20, s31, s14, $0xb8;
	[tilespmem:$0xBF00] =	vst v63  }
0x3f: {  	_ =	swait.ge [sflag:s20], $0x1000  }
0x40: {  	[sflag:s20] =	ssyncset.done $0x0  }
0x41: {  	s30 =	sadd.s32 $0x180, s30;
	[sflag:s20] =	ssyncadd.s32 $0xFFFFF000  }
0x42: {  	[tilespmem:s16], [sflag:$0x2] =	stream.indirect.gather [hbm4b:s4+s14], $0x20, s30, s14, $0xb8;
	[tilespmem:$0xBF00] =	vst v63  }
0x43: {  	_ =	swait.ge [sflag:s17], $0x1000  }
0x44: {  	[sflag:s17] =	ssyncset.done $0x0  }
0x45: {  	[sflag:s17] =	ssyncadd.s32 $0xFFFFF000  }
0x46: {  	[spmem:s2] =	stream.indirect.scatter.add.f32 [tilespmem:s15], [sflag:$0x3], $0x20, s21, s14, $0xb8;
	[tilespmem:$0xBF00] =	vst v63  }
0x47: {  	_ =	swait.ge [sflag:s18], $0x1000  }
0x48: {  	[sflag:s18] =	ssyncset.done $0x0  }
0x49: {  	[sflag:s18] =	ssyncadd.s32 $0xFFFFF000  }
0x4a: {  	[spmem:s2] =	stream.indirect.scatter.add.f32 [tilespmem:s16], [sflag:$0x4], $0x20, s22, s14, $0xb8;
	[tilespmem:$0xBF00] =	vst v63  }
0x4b: {  	_ =	swait.ge [sflag:s19], $0x1000  }
0x4c: {  	[sflag:s19] =	ssyncset.done $0x0  }
0x4d: {  	[sflag:s19] =	ssyncadd.s32 $0xFFFFF000  }
0x4e: {  	[tilespmem:s15], [sflag:$0x1] =	stream.indirect.gather [hbm4b:s4+s14], $0x20, s23, s14, $0xb8;
	[tilespmem:$0xBF00] =	vst v63  }
0x4f: {  	_ =	swait.ge [sflag:s20], $0x1000  }
0x50: {  	[sflag:s20] =	ssyncset.done $0x0  }
0x51: {  	[sflag:s20] =	ssyncadd.s32 $0xFFFFF000  }
0x52: {  	[tilespmem:s16], [sflag:$0x2] =	stream.indirect.gather [hbm4b:s4+s14], $0x20, s24, s14, $0xb8;
	[tilespmem:$0xBF00] =	vst v63  }
0x53: {  	_ =	swait.ge [sflag:s17], $0x1000  }
0x54: {  	[sflag:s17] =	ssyncset.done $0x0  }
0x55: {  	[sflag:s17] =	ssyncadd.s32 $0xFFFFF000  }
0x56: {  	[spmem:s2] =	stream.indirect.scatter.add.f32 [tilespmem:s15], [sflag:$0x3], $0x20, s25, s14, $0xb8;
	[tilespmem:$0xBF00] =	vst v63  }
0x57: {  	_ =	swait.ge [sflag:s18], $0x1000  }
0x58: {  	[sflag:s18] =	ssyncset.done $0x0  }
0x59: {  	[sflag:s18] =	ssyncadd.s32 $0xFFFFF000  }
0x5a: {  	[spmem:s2] =	stream.indirect.scatter.add.f32 [tilespmem:s16], [sflag:$0x4], $0x20, s26, s14, $0xb8;
	[tilespmem:$0xBF00] =	vst v63  }
0x5b: {  	_ =	swait.ge [sflag:s19], $0x1000  }
0x5c: {  	[sflag:s19] =	ssyncset.done $0x0  }
0x5d: {  	[sflag:s19] =	ssyncadd.s32 $0xFFFFF000  }
0x5e: {  	[tilespmem:s15], [sflag:$0x1] =	stream.indirect.gather [hbm4b:s4+s14], $0x20, s24, s14, $0xb8;
	[tilespmem:$0xBF00] =	vst v63  }
0x5f: {  	_ =	swait.ge [sflag:s20], $0x1000  }
0x60: {  	[sflag:s20] =	ssyncset.done $0x0  }
0x61: {  	[sflag:s20] =	ssyncadd.s32 $0xFFFFF000  }
0x62: {  	[tilespmem:s16], [sflag:$0x2] =	stream.indirect.gather [hbm4b:s4+s14], $0x20, s24, s14, $0xb8;
	[tilespmem:$0xBF00] =	vst v63  }
0x63: {  	_ =	swait.ge [sflag:s17], $0x1000  }
0x64: {  	[sflag:s17] =	ssyncset.done $0x0  }
0x65: {  	[sflag:s17] =	ssyncadd.s32 $0xFFFFF000  }
0x66: {  	_ =	swait.ge [sflag:s18], $0x1000  }
0x67: {  	s28 =	sadd.s32 $0x1, s28;
	[sflag:s18] =	ssyncset.done $0x0  }
0x68: {  	p0 =	sne.s32 s28, s9;
	[sflag:s18] =	ssyncadd.s32 $0xFFFFF000  }
.Ltmp1:
0x69: {  	[bflag:$0x0] =	sbarrier.arrive $0xFFFF;
	(pc) =	sbr.rel @p0 .LBB2_1-.Ltmp1, $4  }
0x6a: {  	[hbm:s10], [sflag:s6] =	dma.local [spmem:s11], $0x9E0  }
0x6b: {  	_ =	swait.ge [sflag:s12], $0x9E0  }
0x6c: {  	[sflag:s12] =	ssyncset.done $0x0  }
0x6d: {  	[sflag:s12] =	ssyncadd.s32 $0xFFFFF620  }
0x6e: {  	_ =	sfence.sel $0x180000  }
0x6f: {  	[bflag:$0x0] =	sbarrier.arrive $0xFFFF  }
0x70: {  	p0 =	sne.s32 s0, $0x0;
	_ =	strace $0x9000004A  }
0x71: {  	s0 =	sadd.s32 @!p0 $0x100000, s1;
	[bflag:$0x2] =	sbarrier.arrive $0xFFFF  }
0x72: {  	[sflag:s0] =	ssyncadd.tile.s32 @!p0 $0x1;
	_ =	shalt  }
.Lfunc_end2:
_tile_overlayer_lowered:
.L_overlay_start_2:
0x73: {  	(tag) =	ssettag $0x2  }
0x74: {  	s0 =	rddreg [dreg:$0x0];
	s2 =	stileid.u32  }
0x75: {  	s1 =	rddreg [dreg:$0x1];
	p0 =	sne.s32 s2, $0x0  }
0x76: {  	s3 =	rddreg [dreg:$0x2];
	[bflag:$0x3] =	sbarrier.arrive $0xFFFF;
	s2 =	simm.s32 @!p0 $0x1C05  }
0x77: {  	[timem:s3], [sflag:s2] =	dma.local @!p0 [hbm:s0], s1  }
0x78: {  	s0 =	simm.s32 @!p0 $0x5  }
0x79: {  	_ =	swait.ge @!p0 [sflag:s0], s1  }
0x7a: {  	s1 =	ssub.s32 @!p0 $0x0, s1;
	[sflag:s0] =	ssyncset.done @!p0 $0x0  }
0x7b: {  	[sflag:s0] =	ssyncadd.s32 @!p0 s1  }
0x7c: {  	[bflag:$0x3] =	sbarrier.arrive $0xFFFF  }
0x7d: {  	_ =	shalt  }

// kernel: kernel.7.cloned.1.call-start
scs
__scs_entry_jumppad:
0x0: {  	(pc) =	sbr.rel $0x88, $3  }
0x1: {  	(tag) =	ssettag $0x0;
	lr =	simm.s32 $0x1  }
0x2: {  	[smem:$0x3F8D] =	sst lr;
	_ =	strace $0xD0000000  }
0x3: {  	_ = 	snop  }
0x4: {  	_ = 	snop  }
0x5: {  	_ = 	snop  }
0x6: {  	_ = 	snop  }
0x7: {  	_ = 	snop  }
__scs_overlays_trampoline_lowered:
0x8: {  	[smem:$0x3F9C] =	sst s0  }
0x9: {  	[smem:$0x3F9D] =	sst s1  }
0xa: {  	[smem:$0x3F9E] =	sst s2  }
0xb: {  	[smem:$0x3F9F] =	sst s3  }
0xc: {  	[smem:$0x3FA0] =	sst s4  }
0xd: {  	[smem:$0x3FA1] =	sst s5  }
0xe: {  	[smem:$0x3FA2] =	sst s6  }
0xf: {  	[smem:$0x3FA3] =	sst s7  }
0x10: {  	[smem:$0x3FA4] =	sst s8  }
0x11: {  	[smem:$0x3FA5] =	sst s9;
	s0 =	simm.s32 @!p0 $0x0  }
0x12: {  	s1 =	sld [smem:$0x3F8B];
	s0 =	simm.s32 @p0 $0x1  }
0x13: {  	[smem:$0x3FA6] =	sst s0;
	s0 =	simm.s32 @!p1 $0x0  }
0x14: {  	s2 =	sld [smem:$0x3F8A];
	s0 =	simm.s32 @p1 $0x1  }
0x15: {  	[smem:$0x3FA7] =	sst s0;
	s0 =	simm.s32 @!p2 $0x0  }
0x16: {  	s3 =	sld [smem:$0x3FDB];
	s0 =	simm.s32 @p2 $0x1  }
0x17: {  	s4 =	simm.s32 $0x1BF5;
	[smem:$0x3FA9] =	sst s0  }
0x18: {  	s0 =	sld [smem:$0x3F8C];
	_ =	swait.ge [sflag:s4], $0x0  }
0x19: {  	s7 =	sld [smem:$0x3F8D]  }
0x1a: {  	s8 =	sadd.s32 $0xFFFFE003, lr  }
0x1b: {  	s9 =	sadd.s32 $0xFFFFFEF7, lr;
	s5 =	simm.s32 $0xFFFFFFFF;
	p2 =	slt.u32 s8, $0xFFFFF086  }
0x1c: {  	p1 =	slt.u32 s9, $0xF7A;
	s5 =	simm.s32 @!p2 $0x0  }
0x1d: {  	s5 =	simm.s32 @p1 $0x1;
	p0 =	seq.s32 s7, s2  }
0x1e: {  	s7 =	smul.u32 @!p0 $0xF7A, s2;
	p2 =	seq.s32 @!p0 s5, $0x0  }
0x1f: {  	s9 =	smul.u32 $0xF7A, s1;
	s8 =	simm.s32 @!p0 $0x1BF5;
	p2 =	por !p2, p0  }
0x20: {  	[sflag:s8] =	ssyncset.s32 @!p0 $0xFFFFF086;
	s6 =	sadd.s32 @!p0 s3, s7;
	s7 =	simm.s32 @!p0 $0x108  }
0x21: {  	s3 =	sadd.s32 s3, s9;
	s6 =	sadd.s32 @!p0 $0x88, s6;
	s7 =	simm.s32 @p2 $0x1082  }
0x22: {  	[simem:s7], [sflag:s8] =	dma.local @!p0 [hbm:s6], $0xF7A  }
0x23: {  	s9 =	sor.u32 $0xD0000000, s2;
	s6 =	simm.s32 $0x108;
	_ =	swait.ge @!p0 [sflag:s8], $0x0  }
0x24: {  	s3 =	sadd.s32 $0x88, s3;
	s6 =	simm.s32 @!p1 $0x1082;
	[sflag:s4] =	ssyncset.s32 $0xFFFFF086  }
0x25: {  	[simem:s6], [sflag:s4] =	dma.local [hbm:s3], $0xF7A  }
0x26: {  	[smem:$0x3F8D] =	sst s1;
	(tag) =	ssettag s2;
	_ =	strace s9  }
0x27: {  	s1 =	sld [smem:$0x3F9D]  }
0x28: {  	s2 =	sld [smem:$0x3F9E]  }
0x29: {  	s4 =	sld [smem:$0x3FA0]  }
0x2a: {  	p0 =	seq.s32 s5, $0x0;
	s5 =	sld [smem:$0x3FA1]  }
0x2b: {  	s6 =	sld [smem:$0x3FA2]  }
0x2c: {  	s7 =	sld [smem:$0x3FA3]  }
0x2d: {  	s3 =	simm.s32 $0x108;
	s8 =	sld [smem:$0x3FA4]  }
0x2e: {  	s3 =	simm.s32 @!p0 $0x1082;
	s9 =	sld [smem:$0x3FA5]  }
0x2f: {  	lr =	sadd.s32 s0, s3;
	s0 =	sld [smem:$0x3F9C]  }
0x30: {  	s3 =	sld [smem:$0x3F9F]  }
0x31: {  	[smem:$0x3FA8] =	sst s10  }
0x32: {  	s10 =	sld [smem:$0x3FA6];
	_ =	sdelay $0x3  }
0x33: {  	p0 =	seq.s32 s10, $0x1;
	s10 =	sld [smem:$0x3FA8];
	_ =	sdelay $0x3  }
0x34: {  	[smem:$0x3FA8] =	sst s10  }
0x35: {  	s10 =	sld [smem:$0x3FA7];
	_ =	sdelay $0x3  }
0x36: {  	p1 =	seq.s32 s10, $0x1;
	s10 =	sld [smem:$0x3FA8];
	_ =	sdelay $0x3  }
0x37: {  	[smem:$0x3FA8] =	sst s10  }
0x38: {  	s10 =	sld [smem:$0x3FA9]  }
0x39: {  	_ = 	snop;
	(pc) =	sbr.ind lr, $3  }
0x3a: {  	_ = 	snop  }
0x3b: {  	_ = 	snop  }
0x3c: {  	p2 =	seq.s32 s10, $0x1;
	s10 =	sld [smem:$0x3FA8]  }
0x3d: {  	_ =	shalt  }
0x3e: {  	_ =	shalt  }
0x3f: {  	_ =	shalt  }
0x40: {  	_ =	shalt  }
0x41: {  	_ =	shalt  }
0x42: {  	_ =	shalt  }
0x43: {  	_ =	shalt  }
0x44: {  	_ =	shalt  }
0x45: {  	_ =	shalt  }
0x46: {  	_ =	shalt  }
0x47: {  	_ =	shalt  }
0x48: {  	_ =	shalt  }
0x49: {  	_ =	shalt  }
0x4a: {  	_ =	shalt  }
0x4b: {  	_ =	shalt  }
0x4c: {  	_ =	shalt  }
0x4d: {  	_ =	shalt  }
0x4e: {  	_ =	shalt  }
0x4f: {  	_ =	shalt  }
0x50: {  	_ =	shalt  }
0x51: {  	_ =	shalt  }
0x52: {  	_ =	shalt  }
0x53: {  	_ =	shalt  }
0x54: {  	_ =	shalt  }
0x55: {  	_ =	shalt  }
0x56: {  	_ =	shalt  }
0x57: {  	_ =	shalt  }
0x58: {  	_ =	shalt  }
0x59: {  	_ =	shalt  }
0x5a: {  	_ =	shalt  }
0x5b: {  	_ =	shalt  }
0x5c: {  	_ =	shalt  }
0x5d: {  	_ =	shalt  }
0x5e: {  	_ =	shalt  }
0x5f: {  	_ =	shalt  }
0x60: {  	_ =	shalt  }
0x61: {  	_ =	shalt  }
0x62: {  	_ =	shalt  }
0x63: {  	_ =	shalt  }
0x64: {  	_ =	shalt  }
0x65: {  	_ =	shalt  }
0x66: {  	_ =	shalt  }
0x67: {  	_ =	shalt  }
0x68: {  	_ =	shalt  }
0x69: {  	_ =	shalt  }
0x6a: {  	_ =	shalt  }
0x6b: {  	_ =	shalt  }
0x6c: {  	_ =	shalt  }
0x6d: {  	_ =	shalt  }
0x6e: {  	_ =	shalt  }
0x6f: {  	_ =	shalt  }
0x70: {  	_ =	shalt  }
0x71: {  	_ =	shalt  }
0x72: {  	_ =	shalt  }
0x73: {  	_ =	shalt  }
0x74: {  	_ =	shalt  }
0x75: {  	_ =	shalt  }
0x76: {  	_ =	shalt  }
0x77: {  	_ =	shalt  }
0x78: {  	_ =	shalt  }
0x79: {  	_ =	shalt  }
0x7a: {  	_ =	shalt  }
0x7b: {  	_ =	shalt  }
0x7c: {  	_ =	shalt  }
0x7d: {  	_ =	shalt  }
0x7e: {  	_ =	shalt  }
0x7f: {  	_ =	shalt  }
0x80: {  	_ =	shalt  }
0x81: {  	_ =	shalt  }
0x82: {  	_ =	shalt  }
0x83: {  	_ =	shalt  }
0x84: {  	_ =	shalt  }
0x85: {  	_ =	shalt  }
0x86: {  	_ =	shalt  }
0x87: {  	_ =	shalt  }
.Lfunc_end0:
.L_simem_size_0:
called_computation_lowered:
.L_overlay_start_0:
0x88: {  	s2 =	sld [smem:$0x3FD9]  }
0x89: {  	s3 =	sld [smem:$0x3FFE];
	_ =	sdelay $0x1  }
0x8a: {  	s1 =	srdreg.scid  }
0x8b: {  	s0 =	sand.u32 $0x1, s1  }
0x8c: {  	s16 =	sshll.u32 s0, $0xA;
	s2 =	sadd.s32 s3, s2  }
0x8d: {  	s2 =	sadd.s32 s2, s16  }
0x8e: {  	[smem:$0x3FB4] =	sst s2  }
0x8f: {  	_ = 	snop  }
0x90: {  	(tm) =	ssettm $0x1  }
0x91: {  	s17 =	sld [smem:$0x3FFB];
	_ =	sdelay $0x3  }
0x92: {  	_ =	strace s17  }
0x93: {  	s2 =	sld [smem:$0x3FFC];
	_ =	sdelay $0x3  }
0x94: {  	_ =	strace s2  }
0x95: {  	s2 =	sld [smem:$0x3FFD];
	_ =	sdelay $0x3  }
0x96: {  	_ =	strace s2  }
0x97: {  	_ =	strace $0x8FFFFFFF  }
0x98: {  	s18 =	sld [smem:$0x3FDB];
	_ =	sdelay $0x1  }
0x99: {  	s19 =	simm.s32 $_scs_section_size  }
0x9a: {  	s4 =	simm.s32 $_size__tile_overlayer_lowered;
	s5 =	simm.s32 $_tile_overlayer_lowered  }
0x9b: {  	s22 =	simm.s32 $0x1BFF;
	s21 =	sshll.u32 s5, $0x1;
	s2 =	sadd.s32 s19, s18  }
0x9c: {  	s6 =	simm.s32 $0x0;
	s20 =	sshll.u32 s4, $0x1;
	s4 =	sadd.s32 s21, s2  }
0x9d: {  	[timem:s6], [sflag:s22] =	dma.local [hbm:s4], s20  }
0x9e: {  	_ =	swait.ge [sflag:s22], s20  }
0x9f: {  	s3 =	ssub.s32 $0x0, s20;
	[sflag:s22] =	ssyncset.done $0x0  }
0xa0: {  	[sflag:s22] =	ssyncadd.s32 s3;
	_ =	sdelay $0x1  }
0xa1: {  	s23 =	simm.s32 $0x1B8B  }
0xa2: {  	_ =	swait.ge [sflag:s23], $0x1  }
0xa3: {  	[sflag:s23] =	ssyncset.done $0x0  }
0xa4: {  	s25 =	simm.s32 $0x1B8E;
	s24 =	sld [smem:$0x3FFE];
	[sflag:s23] =	ssyncadd.s32 $0xFFFFFFFF  }
0xa5: {  	s26 =	simm.s32 $execute0_lowered;
	[smem:$0x3FD2] =	sst s25  }
0xa6: {  	s4 =	sshll.u32 s26, $0x1;
	_ =	strace $0x80000046;
	[dreg:$0x1] =	wrdreg $0xFFFFFFFF  }
0xa7: {  	s28 =	simm.s32 $_size_execute0_lowered;
	s2 =	sadd.s32 s2, s4;
	[dreg:$0x0] =	wrdreg $0x0  }
0xa8: {  	s4 =	sshll.u32 s28, $0x1;
	[dreg:$0x2] =	wrdreg s2  }
0xa9: {  	[dreg:$0x3] =	wrdreg s4  }
0xaa: {  	[dreg:$0x4] =	wrdreg $0xC0  }
0xab: {  	_ =	task [dreg:s6], $0x5FFFF  }
0xac: {  	[dreg:$0x1] =	wrdreg $0xFFFFFFFF  }
0xad: {  	[dreg:$0x0] =	wrdreg $0x60  }
0xae: {  	[dreg:$0x2] =	wrdreg s24  }
0xaf: {  	[dreg:$0x3] =	wrdreg $0xC0000  }
0xb0: {  	[dreg:$0x4] =	wrdreg $0x9  }
0xb1: {  	_ =	task.clear_ibuf [dreg:s6], $0x5FFFF;
	_ =	strace $0x90000046  }
0xb2: {  	s29 =	simm.s32 $0x9;
	_ =	strace $0x80000048  }
0xb3: {  	_ =	swait.ge [sflag:s29], $0x1  }
0xb4: {  	[sflag:s29] =	ssyncadd.s32 $0xFFFFFFFF  }
0xb5: {  	_ =	strace $0x90000048  }
0xb6: {  	_ =	sfence  }
0xb7: {  	s30 =	sld [smem:$0x0];
	_ =	sdelay $0x2  }
0xb8: {  	s31 =	sshll.u32 s1, $0xD;
	s1 =	sshrl.u32 s1, $0x2  }
0xb9: {  	s3 =	sand.u32 $0x4000, s31;
	s1 =	sadd.s32 s1, s30  }
0xba: {  	s0 =	sor.u32 s3, s0;
	s1 =	sshll.u32 s1, $0x11  }
0xbb: {  	s0 =	sor.u32 s1, s0  }
0xbc: {  	s0 =	sadd.s32 $0x8F2B, s0  }
0xbd: {  	[sflag:s0] =	ssyncadd.remote.s32 $0x1  }
0xbe: {  	_ =	sfence.sel $0xFFFF  }
0xbf: {  	[dreg:$0x0] =	wrdreg $0xFFFFFFFF;
	(pc) =	sbr.abs _section_cstart, $3  }
0xc0: {  	[dreg:$0x1] =	wrdreg $0xFFFFFFFF  }
0xc1: {  	_ =	task.clear_ibuf [dreg:s6], $0x2FFFF;
	_ =	strace $0x9FFFFFFF  }
0xc2: {  	(tm) =	ssettm $0x7FFFFFFF  }
0xc3: {  	_ =	shalt  }
tec
execute0_lowered:
.L_overlay_start_1:
0x0: {  	(tag) =	ssettag $0x1  }
0x1: {  	s5 =	rddreg [dreg:$0x0]  }
0x2: {  	s0 =	srdreg.scid;
	s2 =	rddreg [dreg:$0x1]  }
0x3: {  	s3 =	simm.s32 $0x0;
	s13 =	simm.s32 $0x5AE00;
	s14 =	simm.s32 $0x80  }
0x4: {  	s15 =	simm.s32 $0x5000;
	s16 =	simm.s32 $0x8800;
	s17 =	simm.s32 $0x1  }
0x5: {  	s18 =	simm.s32 $0x2;
	s19 =	simm.s32 $0x3;
	s20 =	simm.s32 $0x4  }
0x6: {  	s21 =	simm.s32 $0x4E00;
	s22 =	simm.s32 $0x4E80;
	s23 =	simm.s32 $0x2700  }
0x7: {  	s24 =	simm.s32 $0x2780;
	s25 =	simm.s32 $0x4F00;
	s26 =	simm.s32 $0x4F80  }
0x8: {  	s28 =	simm.s32 $0x0;
	s8 =	sand.u32 $0x1, s0;
	s0 =	stileid.u32  }
0x9: {  	[smem:$0x7FF] =	sst s3;
	s1 =	sshll.u32 s8, $0x4;
	s7 =	smul.u32 $0x11480, s0  }
0xa: {  	s9 =	ssub.s32 $0x2, s8;
	s30 =	sshll.u32 s0, $0x6;
	p0 =	seq.s32 s8, $0x1  }
0xb: {  	s4 =	sor.u32 s0, s1;
	s1 =	rddreg [dreg:$0x2];
	_ =	strace $0x80000047  }
0xc: {  	s11 =	sshrl.u32 s9, $0x1;
	s13 =	simm.s32 @!p0 $0x7D800;
	s6 =	smul.u32 $0x500, s4  }
0xd: {  	s4 =	sadd.s32 $0x1A00, s5;
	s29 =	sshrl.u32 s7, $0x3;
	s9 =	ssub.s32 s9, s11  }
0xe: {  	s31 =	sadd.s32 s7, s2;
	s12 =	sadd.s32 s29, s5;
	s9 =	smax.u32 s9, $0x1  }
0xf: {  	s11 =	sshrl.u32 s31, $0x3;
	s10 =	sadd.s32 s6, s5;
	s5 =	sadd.s32 $0x38400, s12  }
0x10: {  	s6 =	sor.u32 $0x1C05, s30;
	s7 =	sadd.s32 $0x2E400, s10;
	s8 =	sadd.s32 $0x24400, s10  }
0x11: {  	s10 =	sadd.s32 s13, s12;
	s12 =	simm.s32 $0x5;
	s13 =	simm.s32 $0x2800  }
.LBB2_1:
0x12: {  	[spmem:s11], [sflag:s6] =	dma.local [hbm:s5], $0x2290  }
0x13: {  	_ =	swait.ge [sflag:s12], $0x2290  }
0x14: {  	[sflag:s12] =	ssyncset.done $0x0  }
0x15: {  	[sflag:s12] =	ssyncadd.s32 $0xFFFFDD70  }
0x16: {  	[tilespmem:s3], [sflag:$0x5] =	stream.linear.gather [hbm4b:s7+s3], $0x2800, $0x38;
	[tilespmem:$0x1D480] =	vst v63  }
0x17: {  	_ =	swait.ge [sflag:s12], $0x2800  }
0x18: {  	[sflag:s12] =	ssyncset.done $0x0  }
0x19: {  	[sflag:s12] =	ssyncadd.s32 $0xFFFFD800  }
0x1a: {  	[tilespmem:s13], [sflag:$0x5] =	stream.linear.gather [hbm4b:s8+s3], $0x2800, $0x38;
	[tilespmem:$0x1D480] =	vst v63  }
0x1b: {  	_ =	swait.ge [sflag:s12], $0x2800  }
0x1c: {  	[sflag:s12] =	ssyncset.done $0x0  }
0x1d: {  	[sflag:s12] =	ssyncadd.s32 $0xFFFFD800  }
0x1e: {  	[bflag:$0x0] =	sbarrier.arrive $0xFFFF  }
0x1f: {  	[tilespmem:s15], [sflag:$0x1] =	stream.indirect.gather [hbm4b:s4+s14], $0x70, s3, s14, $0xb8;
	[tilespmem:$0x1D480] =	vst v63  }
0x20: {  	_ = 	snop  }
0x21: {  	[tilespmem:s16], [sflag:$0x2] =	stream.indirect.gather [hbm4b:s4+s14], $0x70, s14, s14, $0xb8;
	[tilespmem:$0x1D480] =	vst v63  }
0x22: {  	_ =	swait.ge [sflag:s17], $0x3800  }
0x23: {  	[sflag:s17] =	ssyncset.done $0x0  }
0x24: {  	s29 =	simm.s32 $0x2800;
	[sflag:s17] =	ssyncadd.s32 $0xFFFFC800  }
0x25: {  	[spmem:s2] =	stream.indirect.scatter.add.f32 [tilespmem:s15], [sflag:$0x3], $0x70, s29, s14, $0xb8;
	[tilespmem:$0x1D480] =	vst v63  }
0x26: {  	_ =	swait.ge [sflag:s18], $0x3800  }
0x27: {  	[sflag:s18] =	ssyncset.done $0x0  }
0x28: {  	s29 =	simm.s32 $0x2880;
	[sflag:s18] =	ssyncadd.s32 $0xFFFFC800  }
0x29: {  	[spmem:s2] =	stream.indirect.scatter.add.f32 [tilespmem:s16], [sflag:$0x4], $0x70, s29, s14, $0xb8;
	[tilespmem:$0x1D480] =	vst v63  }
0x2a: {  	_ =	swait.ge [sflag:s19], $0x3800  }
0x2b: {  	[sflag:s19] =	ssyncset.done $0x0  }
0x2c: {  	s29 =	simm.s32 $0x100;
	[sflag:s19] =	ssyncadd.s32 $0xFFFFC800  }
0x2d: {  	[tilespmem:s15], [sflag:$0x1] =	stream.indirect.gather [hbm4b:s4+s14], $0x70, s29, s14, $0xb8;
	[tilespmem:$0x1D480] =	vst v63  }
0x2e: {  	_ =	swait.ge [sflag:s20], $0x3800  }
0x2f: {  	[sflag:s20] =	ssyncset.done $0x0  }
0x30: {  	s30 =	simm.s32 $0x180;
	s29 =	simm.s32 $0x400;
	[sflag:s20] =	ssyncadd.s32 $0xFFFFC800  }
.LBB2_2:
0x31: {  	[tilespmem:s16], [sflag:$0x2] =	stream.indirect.gather [hbm4b:s4+s14], $0x70, s30, s14, $0xb8;
	[tilespmem:$0x1D480] =	vst v63  }
0x32: {  	s30 =	smov.u32 s29  }
0x33: {  	p0 =	sne.s32 s29, $0x9400;
	s29 =	sadd.s32 $0x400, s29;
	_ =	swait.ge [sflag:s17], $0x3800  }
0x34: {  	s30 =	sshra.s32 s30, $0x2;
	[sflag:s17] =	ssyncset.done $0x0  }
0x35: {  	s31 =	sadd.s32 $0x2800, s30;
	[sflag:s17] =	ssyncadd.s32 $0xFFFFC800  }
0x36: {  	[spmem:s2] =	stream.indirect.scatter.add.f32 [tilespmem:s15], [sflag:$0x3], $0x70, s31, s14, $0xb8;
	[tilespmem:$0x1D480] =	vst v63  }
0x37: {  	_ =	swait.ge [sflag:s18], $0x3800  }
0x38: {  	[sflag:s18] =	ssyncset.done $0x0  }
0x39: {  	s31 =	sadd.s32 $0x2880, s30;
	[sflag:s18] =	ssyncadd.s32 $0xFFFFC800  }
0x3a: {  	[spmem:s2] =	stream.indirect.scatter.add.f32 [tilespmem:s16], [sflag:$0x4], $0x70, s31, s14, $0xb8;
	[tilespmem:$0x1D480] =	vst v63  }
0x3b: {  	_ =	swait.ge [sflag:s19], $0x3800  }
0x3c: {  	[sflag:s19] =	ssyncset.done $0x0  }
.Ltmp0:
0x3d: {  	s31 =	sadd.s32 $0x100, s30;
	[sflag:s19] =	ssyncadd.s32 $0xFFFFC800;
	(pc) =	sbr.rel @p0 .LBB2_2-.Ltmp0, $4  }
0x3e: {  	[tilespmem:s15], [sflag:$0x1] =	stream.indirect.gather [hbm4b:s4+s14], $0x70, s31, s14, $0xb8;
	[tilespmem:$0x1D480] =	vst v63  }
0x3f: {  	_ =	swait.ge [sflag:s20], $0x3800  }
0x40: {  	[sflag:s20] =	ssyncset.done $0x0  }
0x41: {  	s30 =	sadd.s32 $0x180, s30;
	[sflag:s20] =	ssyncadd.s32 $0xFFFFC800  }
0x42: {  	[tilespmem:s16], [sflag:$0x2] =	stream.indirect.gather [hbm4b:s4+s14], $0x70, s30, s14, $0xb8;
	[tilespmem:$0x1D480] =	vst v63  }
0x43: {  	_ =	swait.ge [sflag:s17], $0x3800  }
0x44: {  	[sflag:s17] =	ssyncset.done $0x0  }
0x45: {  	[sflag:s17] =	ssyncadd.s32 $0xFFFFC800  }
0x46: {  	[spmem:s2] =	stream.indirect.scatter.add.f32 [tilespmem:s15], [sflag:$0x3], $0x70, s21, s14, $0xb8;
	[tilespmem:$0x1D480] =	vst v63  }
0x47: {  	_ =	swait.ge [sflag:s18], $0x3800  }
0x48: {  	[sflag:s18] =	ssyncset.done $0x0  }
0x49: {  	[sflag:s18] =	ssyncadd.s32 $0xFFFFC800  }
0x4a: {  	[spmem:s2] =	stream.indirect.scatter.add.f32 [tilespmem:s16], [sflag:$0x4], $0x70, s22, s14, $0xb8;
	[tilespmem:$0x1D480] =	vst v63  }
0x4b: {  	_ =	swait.ge [sflag:s19], $0x3800  }
0x4c: {  	[sflag:s19] =	ssyncset.done $0x0  }
0x4d: {  	[sflag:s19] =	ssyncadd.s32 $0xFFFFC800  }
0x4e: {  	[tilespmem:s15], [sflag:$0x1] =	stream.indirect.gather [hbm4b:s4+s14], $0x70, s23, s14, $0xb8;
	[tilespmem:$0x1D480] =	vst v63  }
0x4f: {  	_ =	swait.ge [sflag:s20], $0x3800  }
0x50: {  	[sflag:s20] =	ssyncset.done $0x0  }
0x51: {  	[sflag:s20] =	ssyncadd.s32 $0xFFFFC800  }
0x52: {  	[tilespmem:s16], [sflag:$0x2] =	stream.indirect.gather [hbm4b:s4+s14], $0x70, s24, s14, $0xb8;
	[tilespmem:$0x1D480] =	vst v63  }
0x53: {  	_ =	swait.ge [sflag:s17], $0x3800  }
0x54: {  	[sflag:s17] =	ssyncset.done $0x0  }
0x55: {  	[sflag:s17] =	ssyncadd.s32 $0xFFFFC800  }
0x56: {  	[spmem:s2] =	stream.indirect.scatter.add.f32 [tilespmem:s15], [sflag:$0x3], $0x70, s25, s14, $0xb8;
	[tilespmem:$0x1D480] =	vst v63  }
0x57: {  	_ =	swait.ge [sflag:s18], $0x3800  }
0x58: {  	[sflag:s18] =	ssyncset.done $0x0  }
0x59: {  	[sflag:s18] =	ssyncadd.s32 $0xFFFFC800  }
0x5a: {  	[spmem:s2] =	stream.indirect.scatter.add.f32 [tilespmem:s16], [sflag:$0x4], $0x70, s26, s14, $0xb8;
	[tilespmem:$0x1D480] =	vst v63  }
0x5b: {  	_ =	swait.ge [sflag:s19], $0x3800  }
0x5c: {  	[sflag:s19] =	ssyncset.done $0x0  }
0x5d: {  	[sflag:s19] =	ssyncadd.s32 $0xFFFFC800  }
0x5e: {  	[tilespmem:s15], [sflag:$0x1] =	stream.indirect.gather [hbm4b:s4+s14], $0x70, s24, s14, $0xb8;
	[tilespmem:$0x1D480] =	vst v63  }
0x5f: {  	_ =	swait.ge [sflag:s20], $0x3800  }
0x60: {  	[sflag:s20] =	ssyncset.done $0x0  }
0x61: {  	[sflag:s20] =	ssyncadd.s32 $0xFFFFC800  }
0x62: {  	[tilespmem:s16], [sflag:$0x2] =	stream.indirect.gather [hbm4b:s4+s14], $0x70, s24, s14, $0xb8;
	[tilespmem:$0x1D480] =	vst v63  }
0x63: {  	_ =	swait.ge [sflag:s17], $0x3800  }
0x64: {  	[sflag:s17] =	ssyncset.done $0x0  }
0x65: {  	[sflag:s17] =	ssyncadd.s32 $0xFFFFC800  }
0x66: {  	_ =	swait.ge [sflag:s18], $0x3800  }
0x67: {  	s28 =	sadd.s32 $0x1, s28;
	[sflag:s18] =	ssyncset.done $0x0  }
0x68: {  	p0 =	sne.s32 s28, s9;
	[sflag:s18] =	ssyncadd.s32 $0xFFFFC800  }
.Ltmp1:
0x69: {  	[bflag:$0x0] =	sbarrier.arrive $0xFFFF;
	(pc) =	sbr.rel @p0 .LBB2_1-.Ltmp1, $4  }
0x6a: {  	[hbm:s10], [sflag:s6] =	dma.local [spmem:s11], $0x2290  }
0x6b: {  	_ =	swait.ge [sflag:s12], $0x2290  }
0x6c: {  	[sflag:s12] =	ssyncset.done $0x0  }
0x6d: {  	[sflag:s12] =	ssyncadd.s32 $0xFFFFDD70  }
0x6e: {  	_ =	sfence.sel $0x180000  }
0x6f: {  	[bflag:$0x0] =	sbarrier.arrive $0xFFFF  }
0x70: {  	p0 =	sne.s32 s0, $0x0;
	_ =	strace $0x90000047  }
0x71: {  	s0 =	sadd.s32 @!p0 $0x100000, s1;
	[bflag:$0x2] =	sbarrier.arrive $0xFFFF  }
0x72: {  	[sflag:s0] =	ssyncadd.tile.s32 @!p0 $0x1;
	_ =	shalt  }
.Lfunc_end2:
_tile_overlayer_lowered:
.L_overlay_start_2:
0x73: {  	(tag) =	ssettag $0x2  }
0x74: {  	s0 =	rddreg [dreg:$0x0];
	s2 =	stileid.u32  }
0x75: {  	s1 =	rddreg [dreg:$0x1];
	p0 =	sne.s32 s2, $0x0  }
0x76: {  	s3 =	rddreg [dreg:$0x2];
	[bflag:$0x3] =	sbarrier.arrive $0xFFFF;
	s2 =	simm.s32 @!p0 $0x1C05  }
0x77: {  	[timem:s3], [sflag:s2] =	dma.local @!p0 [hbm:s0], s1  }
0x78: {  	s0 =	simm.s32 @!p0 $0x5  }
0x79: {  	_ =	swait.ge @!p0 [sflag:s0], s1  }
0x7a: {  	s1 =	ssub.s32 @!p0 $0x0, s1;
	[sflag:s0] =	ssyncset.done @!p0 $0x0  }
0x7b: {  	[sflag:s0] =	ssyncadd.s32 @!p0 s1  }
0x7c: {  	[bflag:$0x3] =	sbarrier.arrive $0xFFFF  }
0x7d: {  	_ =	shalt  }

</sc_bundles>
